<compile_context>
chip_gen: v7x
topology: tpu7x:2x2x1
jax: 0.10.2.dev20260603
libtpu: 0.0.44.dev20260713+nightly
codegen_flags: <defaults>
</compile_context>

<pallas_src>
import functools

import jax
import jax.numpy as jnp
from jax import lax
from jax.experimental import pallas as pl
from jax.experimental.pallas import tpu as pltpu
from jax.experimental.pallas import tpu_sc as plsc

B = 16
N = 8192
L = 16
GRID = 128 * 128 * 3
MAGIC = 12582912.0
NCHUNK = N // L


def _bf16_round(x):
    u = plsc.bitcast(x, jnp.int32)
    r = (u + 32767 + ((u >> 16) & 1)) & jnp.int32(-65536)
    return plsc.bitcast(r, jnp.float32)


def _splat_body(pc_hbm, feat_hbm, tm_hbm, zeros_hbm, out_hbm,
                x0, x1, x2, f0, f1, f2, tmv, iv, jv, grid, zsem, isem):
    cid = lax.axis_index("c")
    sid = lax.axis_index("s")
    wid = sid * 2 + cid

    @pl.when(wid < B)
    def _():
        b = wid
        zcopy = pltpu.async_copy(zeros_hbm, grid, zsem)

        copies = [
            pltpu.async_copy(tm_hbm.at[b], tmv, isem),
            pltpu.async_copy(pc_hbm.at[3 * b + 0], x0, isem),
            pltpu.async_copy(pc_hbm.at[3 * b + 1], x1, isem),
            pltpu.async_copy(pc_hbm.at[3 * b + 2], x2, isem),
            pltpu.async_copy(feat_hbm.at[3 * b + 0], f0, isem),
            pltpu.async_copy(feat_hbm.at[3 * b + 1], f1, isem),
            pltpu.async_copy(feat_hbm.at[3 * b + 2], f2, isem),
        ]
        for c in copies:
            c.wait()

        tvec = _bf16_round(tmv[...])
        t00, t01, t02 = tvec[0], tvec[1], tvec[2]
        t10, t11, t12 = tvec[3], tvec[4], tvec[5]
        t20, t21, t22 = tvec[6], tvec[7], tvec[8]

        big = jnp.full((L,), 1e9, dtype=jnp.float32)
        one = jnp.float32(1.0)
        zero = jnp.float32(0.0)

        def pass1(k, carry):
            rm0, rm1 = carry
            s = pl.ds(k * L, L)
            a0 = _bf16_round(x0[s])
            a1 = _bf16_round(x1[s])
            a2 = _bf16_round(x2[s])
            e0 = t00 * a0 + t01 * a1 + t02 * a2
            e1 = t10 * a0 + t11 * a1 + t12 * a2
            e2 = t20 * a0 + t21 * a1 + t22 * a2
            rv0 = (e0 / 3.0 + MAGIC) - MAGIC
            rv1 = (e1 / 3.0 + MAGIC) - MAGIC
            rv2 = (e2 / 3.0 + MAGIC) - MAGIC
            g0 = e0 - 3.0 * rv0
            g1 = e1 - 3.0 * rv1
            g2 = e2 - 3.0 * rv2
            r0 = (jnp.where(g1 > g0, one, zero)
                  + jnp.where(g2 > g0, one, zero))
            r1 = (jnp.where(g0 >= g1, one, zero)
                  + jnp.where(g2 > g1, one, zero))
            rs = rv0 + rv1 + rv2
            ti = r0 + rs
            tj = r1 + rs
            adj0 = (jnp.where(ti < 0.0, one, zero)
                    - jnp.where(ti >= 3.0, one, zero))
            adj1 = (jnp.where(tj < 0.0, one, zero)
                    - jnp.where(tj >= 3.0, one, zero))
            ip = rv0 + adj0
            jp = rv1 + adj1
            rc0 = jnp.clip(ti + 3.0 * adj0, 0.0, 2.0)
            rc1 = jnp.clip(tj + 3.0 * adj1, 0.0, 2.0)
            m0 = 3.0 * ip - rc0
            m1 = 3.0 * jp - rc1
            iv[s] = ip.astype(jnp.int32)
            jv[s] = jp.astype(jnp.int32)
            return jnp.minimum(rm0, m0), jnp.minimum(rm1, m1)

        rm0, rm1 = plsc.parallel_loop(0, NCHUNK, 1, unroll=4,
                                      carry=(big, big))(pass1)

        def _lanemin(v):
            m = v[0]
            for i in range(1, L):
                m = jnp.minimum(m, v[i])
            return m

        off0 = _lanemin(rm0).astype(jnp.int32)
        off1 = _lanemin(rm1).astype(jnp.int32)
        base0 = lax.div(off0 + 3074, 3) - 1024
        base1 = lax.div(off1 + 3074, 3) - 1024

        zcopy.wait()

        def pass2(k):
            s = pl.ds(k * L, L)
            ii = iv[s] - base0
            jj = jv[s] - base1
            valid = ((ii >= 0) & (ii < 128)) & ((jj >= 0) & (jj < 128))
            flat = ii * 384 + jj * 3
            plsc.addupdate_scatter(grid, [flat], f0[s], mask=valid)
            plsc.addupdate_scatter(grid, [flat + 1], f1[s], mask=valid)
            plsc.addupdate_scatter(grid, [flat + 2], f2[s], mask=valid)

        plsc.parallel_loop(0, NCHUNK, 1, unroll=4)(pass2)
        pltpu.sync_copy(grid, out_hbm.at[b])


_splat = functools.partial(
    pl.kernel,
    out_type=jax.ShapeDtypeStruct((B, GRID), jnp.float32),
    mesh=plsc.VectorSubcoreMesh(core_axis_name="c", subcore_axis_name="s",
                                num_cores=2, num_subcores=16),
    compiler_params=pltpu.CompilerParams(needs_layout_passes=False),
    scratch_types=[
        pltpu.VMEM((N,), jnp.float32),
        pltpu.VMEM((N,), jnp.float32),
        pltpu.VMEM((N,), jnp.float32),
        pltpu.VMEM((N,), jnp.float32),
        pltpu.VMEM((N,), jnp.float32),
        pltpu.VMEM((N,), jnp.float32),
        pltpu.VMEM((L,), jnp.float32),
        pltpu.VMEM((N,), jnp.int32),
        pltpu.VMEM((N,), jnp.int32),
        pltpu.VMEM((GRID,), jnp.float32),
        pltpu.SemaphoreType.DMA,
        pltpu.SemaphoreType.DMA,
    ],
)(_splat_body)


def kernel(pc1, features, trans_mat):
    pc_flat = pc1.reshape(B * 3, N)
    feat_flat = features.reshape(B * 3, N)
    tm_pad = jnp.concatenate(
        [trans_mat.reshape(B, 9),
         jnp.zeros((B, 7), jnp.float32)], axis=1)
    zeros = jnp.zeros((GRID,), jnp.float32)
    out = _splat(pc_flat, feat_flat, tm_pad, zeros)
    return out.reshape(B, 128, 128, 3)

# --- scband reference (transcript-rebuilt; emitter-appended) ---
"""Pipeline reference for scband-get-model-5196910428875 (READ-ONLY COPY).

The authoritative reference and input builder live on the scoring server;
editing this copy changes nothing except your own understanding.
"""

import jax, jax.numpy as jnp
import numpy as np

S = 384
D1 = 3


def _canonical():
    can = np.tile(np.arange(D1)[None, :], (D1, 1))
    for i in range(1, D1):
        can[-i:, i] = i - D1
    return jnp.asarray(can, dtype=jnp.int32)


def setup_inputs(seed: int = 0) -> dict:
    key = jax.random.key(seed)
    k1, k2, k3 = jax.random.split(key, 3)
    B, N = 16, 8192
    # coords pre-scaled (get_model.scalePoints analog) so most lattice keys land in-grid
    pc1 = jax.random.uniform(k1, (B, 3, N), dtype=jnp.float32) * 200.0
    features = jax.random.normal(k2, (B, 3, N), dtype=jnp.float32)
    tm = jax.random.normal(k3, (B, 3, 3), dtype=jnp.float32)
    trans_mat = tm / (jnp.linalg.norm(tm, axis=1, keepdims=True) + 1e-12)  # F.normalize(dim=1)
    return {"pc1": pc1, "features": features, "trans_mat": trans_mat}


def _keys_and_barycentric(pc, trans_mat, canonical):
    B = pc.shape[0]
    N = pc.shape[-1]
    b_idx = jnp.arange(B)[:, None, None]
    p_idx = jnp.arange(N)[None, None, :]
    elevated = jnp.matmul(trans_mat, pc)                  # (B,3,N)
    greedy = jnp.round(elevated / D1) * D1
    el_minus_gr = elevated - greedy
    order = jnp.argsort(-el_minus_gr, axis=1)             # descending sort indices
    rank = jnp.argsort(order, axis=1).astype(jnp.int32)   # inverse permutation (rank[index]=dim)
    remainder_sum = jnp.sum(greedy, axis=1, keepdims=True) / D1
    rank_f = rank.astype(jnp.float32)
    cond_mask = ((rank_f >= D1 - remainder_sum).astype(jnp.float32) * (remainder_sum > 0).astype(jnp.float32)
                 + (rank_f < -remainder_sum).astype(jnp.float32) * (remainder_sum < 0).astype(jnp.float32))
    sign_mask = -1.0 * (remainder_sum > 0).astype(jnp.float32) + (remainder_sum < 0).astype(jnp.float32)
    greedy = greedy + D1 * sign_mask * cond_mask
    rank = rank + (D1 * sign_mask * cond_mask).astype(jnp.int32)
    rank = rank + remainder_sum.astype(jnp.int32)
    el_minus_gr = elevated - greedy
    greedy_i = greedy.astype(jnp.int32)
    bary = jnp.zeros((B, D1 + 1, N), dtype=jnp.float32)
    bary = bary.at[b_idx, D1 - rank, p_idx].add(el_minus_gr)
    bary = bary.at[b_idx, D1 - rank, p_idx].add(-el_minus_gr)
    bary = bary / D1
    bary = bary.at[:, 0, :].add(1.0 + bary[:, D1, :])
    bary = bary[:, :-1, :]                                 # (B,3,N)
    keys = greedy_i[:, :, :, None] + canonical[jnp.clip(rank, 0, D1 - 1), :]  # (B,3,N,3)
    return keys, bary, el_minus_gr


def reference(pc1, features, trans_mat):
    canonical = _canonical()
    keys, in_bary, _ = _keys_and_barycentric(pc1, trans_mat, canonical)
    B = features.shape[0]
    N = features.shape[-1]
    coord = keys[:, :2].reshape(B, 2, -1)                  # (B,2,3N)
    offset = jnp.min(coord, axis=2)                        # (B,2)
    coord = coord - offset[:, :, None]
    tmp = in_bary[:, None, :, :] * features[:, :, None, :]  # (B,3feat,3lat,N)
    tmp = jnp.transpose(tmp, (0, 1, 3, 2)).reshape(B, 3, -1)
    tmp = jnp.transpose(tmp, (0, 2, 1))                    # (B,3N,3)
    pts_pick = jnp.mod(-offset, D1)                        # (B,2)
    oor = coord >= S
    coord = jnp.where(oor, 0, coord)
    bad = jnp.sum(oor.astype(jnp.int32), axis=1) > 0       # (B,3N)
    tmp = jnp.where(bad[:, :, None], 0.0, tmp)
    m = S // D1

    def splat(coord_i, tmp_i, pick_i):
        # scatter-add splat: torch.sparse.FloatTensor(coord, tmp).to_dense()
        grid = jnp.zeros((S, S, 3), dtype=jnp.float32).at[coord_i[0], coord_i[1]].add(tmp_i)
        rows = pick_i[0] + D1 * jnp.arange(m)
        cols = pick_i[1] + D1 * jnp.arange(m)
        return grid[rows][:, cols]

    filter_2d = jax.vmap(splat)(coord, tmp, pts_pick)      # (B, 128, 128, 3)
    return filter_2d

if __name__ == "__main__":
    import jax
    _d = setup_inputs()
    print(jax.jit(kernel)(*tuple(_d.values())))

</pallas_src>

<mosaic_0001>
#map = affine_map<(d0, d1) -> (0, 0)>
#map1 = affine_map<(d0, d1) -> (0)>
module attributes {stable_mosaic.version = 14 : i64} {
  func.func @_splat_body(%arg0: i32, %arg1: i32, %arg2: memref<48x8192xf32, #tpu.memory_space<hbm>>, %arg3: memref<48x8192xf32, #tpu.memory_space<hbm>>, %arg4: memref<16x16xf32, #tpu.memory_space<hbm>>, %arg5: memref<49152xf32, #tpu.memory_space<hbm>>, %arg6: memref<16x49152xf32, #tpu.memory_space<hbm>>, %arg7: memref<8192xf32, #tpu.memory_space<vmem>>, %arg8: memref<8192xf32, #tpu.memory_space<vmem>>, %arg9: memref<8192xf32, #tpu.memory_space<vmem>>, %arg10: memref<8192xf32, #tpu.memory_space<vmem>>, %arg11: memref<8192xf32, #tpu.memory_space<vmem>>, %arg12: memref<8192xf32, #tpu.memory_space<vmem>>, %arg13: memref<16xf32, #tpu.memory_space<vmem>>, %arg14: memref<8192xi32, #tpu.memory_space<vmem>>, %arg15: memref<8192xi32, #tpu.memory_space<vmem>>, %arg16: memref<49152xf32, #tpu.memory_space<vmem>>, %arg17: memref<!tpu.dma_semaphore, #tpu.memory_space<semaphore_mem>>, %arg18: memref<!tpu.dma_semaphore, #tpu.memory_space<semaphore_mem>>) attributes {dimension_semantics = [#tpu.dimension_semantics<core_parallel>, #tpu.dimension_semantics<subcore_parallel>], iteration_bounds = array<i64: 2, 16>, scalar_prefetch = 0 : i64, scratch_operands = 12 : i64, tpu.core_type = #tpu.core_type<sc_vector_subcore>, window_params = [{transform_indices = #map}, {transform_indices = #map}, {transform_indices = #map}, {transform_indices = #map1}, {transform_indices = #map}]} {
    %mul3A = arith.constant 2 : i32
    %mul3A_0 = arith.muli %arg1, %mul3A : i32
    %add3A = arith.addi %mul3A_0, %arg0 : i32
    %lt3A = arith.constant 16 : i32
    %lt3A_1 = arith.cmpi slt, %add3A, %lt3A : i32
    %convert_element_type3A = arith.extui %lt3A_1 : i1 to i32
    %cond3A = arith.constant 0 : i32
    %cond3A_2 = arith.cmpi ne, %convert_element_type3A, %cond3A : i32
    scf.if %cond3A_2 {
      tpu.enqueue_dma source(%arg5 : memref<49152xf32, #tpu.memory_space<hbm>>) target(%arg16 : memref<49152xf32, #tpu.memory_space<vmem>>) target_semaphore(%arg17 : memref<!tpu.dma_semaphore, #tpu.memory_space<semaphore_mem>>)
      %dma_start3A = arith.constant 0 : i32
      %dma_start3A_3 = tpu.memref_slice %arg4[%add3A, %dma_start3A] : memref<16x16xf32, #tpu.memory_space<hbm>> -> memref<1x16xf32, #tpu.memory_space<hbm>>
      %dma_start3A_4 = tpu.memref_squeeze %dma_start3A_3 : memref<1x16xf32, #tpu.memory_space<hbm>> -> memref<16xf32, #tpu.memory_space<hbm>>
      %dma_start3A_5 = arith.constant 0 : i32
      %dma_start3A_6 = tpu.memref_slice %arg4[%add3A, %dma_start3A_5] : memref<16x16xf32, #tpu.memory_space<hbm>> -> memref<1x16xf32, #tpu.memory_space<hbm>>
      %dma_start3A_7 = tpu.memref_squeeze %dma_start3A_6 : memref<1x16xf32, #tpu.memory_space<hbm>> -> memref<16xf32, #tpu.memory_space<hbm>>
      tpu.enqueue_dma source(%dma_start3A_7 : memref<16xf32, #tpu.memory_space<hbm>>) target(%arg13 : memref<16xf32, #tpu.memory_space<vmem>>) target_semaphore(%arg18 : memref<!tpu.dma_semaphore, #tpu.memory_space<semaphore_mem>>)
      %mul3A_8 = arith.constant 3 : i32
      %mul3A_9 = arith.muli %mul3A_8, %add3A : i32
      %add3A_10 = arith.constant 0 : i32
      %add3A_11 = arith.addi %mul3A_9, %add3A_10 : i32
      %dma_start3A_12 = arith.constant 0 : i32
      %dma_start3A_13 = tpu.memref_slice %arg2[%add3A_11, %dma_start3A_12] : memref<48x8192xf32, #tpu.memory_space<hbm>> -> memref<1x8192xf32, #tpu.memory_space<hbm>>
      %dma_start3A_14 = tpu.memref_squeeze %dma_start3A_13 : memref<1x8192xf32, #tpu.memory_space<hbm>> -> memref<8192xf32, #tpu.memory_space<hbm>>
      %dma_start3A_15 = arith.constant 0 : i32
      %dma_start3A_16 = tpu.memref_slice %arg2[%add3A_11, %dma_start3A_15] : memref<48x8192xf32, #tpu.memory_space<hbm>> -> memref<1x8192xf32, #tpu.memory_space<hbm>>
      %dma_start3A_17 = tpu.memref_squeeze %dma_start3A_16 : memref<1x8192xf32, #tpu.memory_space<hbm>> -> memref<8192xf32, #tpu.memory_space<hbm>>
      tpu.enqueue_dma source(%dma_start3A_17 : memref<8192xf32, #tpu.memory_space<hbm>>) target(%arg7 : memref<8192xf32, #tpu.memory_space<vmem>>) target_semaphore(%arg18 : memref<!tpu.dma_semaphore, #tpu.memory_space<semaphore_mem>>)
      %mul3A_18 = arith.constant 3 : i32
      %mul3A_19 = arith.muli %mul3A_18, %add3A : i32
      %add3A_20 = arith.constant 1 : i32
      %add3A_21 = arith.addi %mul3A_19, %add3A_20 : i32
      %dma_start3A_22 = arith.constant 0 : i32
      %dma_start3A_23 = tpu.memref_slice %arg2[%add3A_21, %dma_start3A_22] : memref<48x8192xf32, #tpu.memory_space<hbm>> -> memref<1x8192xf32, #tpu.memory_space<hbm>>
      %dma_start3A_24 = tpu.memref_squeeze %dma_start3A_23 : memref<1x8192xf32, #tpu.memory_space<hbm>> -> memref<8192xf32, #tpu.memory_space<hbm>>
      %dma_start3A_25 = arith.constant 0 : i32
      %dma_start3A_26 = tpu.memref_slice %arg2[%add3A_21, %dma_start3A_25] : memref<48x8192xf32, #tpu.memory_space<hbm>> -> memref<1x8192xf32, #tpu.memory_space<hbm>>
      %dma_start3A_27 = tpu.memref_squeeze %dma_start3A_26 : memref<1x8192xf32, #tpu.memory_space<hbm>> -> memref<8192xf32, #tpu.memory_space<hbm>>
      tpu.enqueue_dma source(%dma_start3A_27 : memref<8192xf32, #tpu.memory_space<hbm>>) target(%arg8 : memref<8192xf32, #tpu.memory_space<vmem>>) target_semaphore(%arg18 : memref<!tpu.dma_semaphore, #tpu.memory_space<semaphore_mem>>)
      %mul3A_28 = arith.constant 3 : i32
      %mul3A_29 = arith.muli %mul3A_28, %add3A : i32
      %add3A_30 = arith.constant 2 : i32
      %add3A_31 = arith.addi %mul3A_29, %add3A_30 : i32
      %dma_start3A_32 = arith.constant 0 : i32
      %dma_start3A_33 = tpu.memref_slice %arg2[%add3A_31, %dma_start3A_32] : memref<48x8192xf32, #tpu.memory_space<hbm>> -> memref<1x8192xf32, #tpu.memory_space<hbm>>
      %dma_start3A_34 = tpu.memref_squeeze %dma_start3A_33 : memref<1x8192xf32, #tpu.memory_space<hbm>> -> memref<8192xf32, #tpu.memory_space<hbm>>
      %dma_start3A_35 = arith.constant 0 : i32
      %dma_start3A_36 = tpu.memref_slice %arg2[%add3A_31, %dma_start3A_35] : memref<48x8192xf32, #tpu.memory_space<hbm>> -> memref<1x8192xf32, #tpu.memory_space<hbm>>
      %dma_start3A_37 = tpu.memref_squeeze %dma_start3A_36 : memref<1x8192xf32, #tpu.memory_space<hbm>> -> memref<8192xf32, #tpu.memory_space<hbm>>
      tpu.enqueue_dma source(%dma_start3A_37 : memref<8192xf32, #tpu.memory_space<hbm>>) target(%arg9 : memref<8192xf32, #tpu.memory_space<vmem>>) target_semaphore(%arg18 : memref<!tpu.dma_semaphore, #tpu.memory_space<semaphore_mem>>)
      %mul3A_38 = arith.constant 3 : i32
      %mul3A_39 = arith.muli %mul3A_38, %add3A : i32
      %add3A_40 = arith.constant 0 : i32
      %add3A_41 = arith.addi %mul3A_39, %add3A_40 : i32
      %dma_start3A_42 = arith.constant 0 : i32
      %dma_start3A_43 = tpu.memref_slice %arg3[%add3A_41, %dma_start3A_42] : memref<48x8192xf32, #tpu.memory_space<hbm>> -> memref<1x8192xf32, #tpu.memory_space<hbm>>
      %dma_start3A_44 = tpu.memref_squeeze %dma_start3A_43 : memref<1x8192xf32, #tpu.memory_space<hbm>> -> memref<8192xf32, #tpu.memory_space<hbm>>
      %dma_start3A_45 = arith.constant 0 : i32
      %dma_start3A_46 = tpu.memref_slice %arg3[%add3A_41, %dma_start3A_45] : memref<48x8192xf32, #tpu.memory_space<hbm>> -> memref<1x8192xf32, #tpu.memory_space<hbm>>
      %dma_start3A_47 = tpu.memref_squeeze %dma_start3A_46 : memref<1x8192xf32, #tpu.memory_space<hbm>> -> memref<8192xf32, #tpu.memory_space<hbm>>
      tpu.enqueue_dma source(%dma_start3A_47 : memref<8192xf32, #tpu.memory_space<hbm>>) target(%arg10 : memref<8192xf32, #tpu.memory_space<vmem>>) target_semaphore(%arg18 : memref<!tpu.dma_semaphore, #tpu.memory_space<semaphore_mem>>)
      %mul3A_48 = arith.constant 3 : i32
      %mul3A_49 = arith.muli %mul3A_48, %add3A : i32
      %add3A_50 = arith.constant 1 : i32
      %add3A_51 = arith.addi %mul3A_49, %add3A_50 : i32
      %dma_start3A_52 = arith.constant 0 : i32
      %dma_start3A_53 = tpu.memref_slice %arg3[%add3A_51, %dma_start3A_52] : memref<48x8192xf32, #tpu.memory_space<hbm>> -> memref<1x8192xf32, #tpu.memory_space<hbm>>
      %dma_start3A_54 = tpu.memref_squeeze %dma_start3A_53 : memref<1x8192xf32, #tpu.memory_space<hbm>> -> memref<8192xf32, #tpu.memory_space<hbm>>
      %dma_start3A_55 = arith.constant 0 : i32
      %dma_start3A_56 = tpu.memref_slice %arg3[%add3A_51, %dma_start3A_55] : memref<48x8192xf32, #tpu.memory_space<hbm>> -> memref<1x8192xf32, #tpu.memory_space<hbm>>
      %dma_start3A_57 = tpu.memref_squeeze %dma_start3A_56 : memref<1x8192xf32, #tpu.memory_space<hbm>> -> memref<8192xf32, #tpu.memory_space<hbm>>
      tpu.enqueue_dma source(%dma_start3A_57 : memref<8192xf32, #tpu.memory_space<hbm>>) target(%arg11 : memref<8192xf32, #tpu.memory_space<vmem>>) target_semaphore(%arg18 : memref<!tpu.dma_semaphore, #tpu.memory_space<semaphore_mem>>)
      %mul3A_58 = arith.constant 3 : i32
      %mul3A_59 = arith.muli %mul3A_58, %add3A : i32
      %add3A_60 = arith.constant 2 : i32
      %add3A_61 = arith.addi %mul3A_59, %add3A_60 : i32
      %dma_start3A_62 = arith.constant 0 : i32
      %dma_start3A_63 = tpu.memref_slice %arg3[%add3A_61, %dma_start3A_62] : memref<48x8192xf32, #tpu.memory_space<hbm>> -> memref<1x8192xf32, #tpu.memory_space<hbm>>
      %dma_start3A_64 = tpu.memref_squeeze %dma_start3A_63 : memref<1x8192xf32, #tpu.memory_space<hbm>> -> memref<8192xf32, #tpu.memory_space<hbm>>
      %dma_start3A_65 = arith.constant 0 : i32
      %dma_start3A_66 = tpu.memref_slice %arg3[%add3A_61, %dma_start3A_65] : memref<48x8192xf32, #tpu.memory_space<hbm>> -> memref<1x8192xf32, #tpu.memory_space<hbm>>
      %dma_start3A_67 = tpu.memref_squeeze %dma_start3A_66 : memref<1x8192xf32, #tpu.memory_space<hbm>> -> memref<8192xf32, #tpu.memory_space<hbm>>
      tpu.enqueue_dma source(%dma_start3A_67 : memref<8192xf32, #tpu.memory_space<hbm>>) target(%arg12 : memref<8192xf32, #tpu.memory_space<vmem>>) target_semaphore(%arg18 : memref<!tpu.dma_semaphore, #tpu.memory_space<semaphore_mem>>)
      %dma_wait3A = arith.constant 0 : i32
      %dma_wait3A_68 = tpu.memref_slice %arg4[%add3A, %dma_wait3A] : memref<16x16xf32, #tpu.memory_space<hbm>> -> memref<1x16xf32, #tpu.memory_space<hbm>>
      %dma_wait3A_69 = tpu.memref_squeeze %dma_wait3A_68 : memref<1x16xf32, #tpu.memory_space<hbm>> -> memref<16xf32, #tpu.memory_space<hbm>>
      %dma_wait3A_70 = arith.constant 0 : i32
      %dma_wait3A_71 = tpu.memref_slice %arg4[%add3A, %dma_wait3A_70] : memref<16x16xf32, #tpu.memory_space<hbm>> -> memref<1x16xf32, #tpu.memory_space<hbm>>
      %dma_wait3A_72 = tpu.memref_squeeze %dma_wait3A_71 : memref<1x16xf32, #tpu.memory_space<hbm>> -> memref<16xf32, #tpu.memory_space<hbm>>
      tpu.wait_dma2 semaphore(%arg18 : memref<!tpu.dma_semaphore, #tpu.memory_space<semaphore_mem>>) src(%dma_wait3A_72 : memref<16xf32, #tpu.memory_space<hbm>>) dst(%arg13 : memref<16xf32, #tpu.memory_space<vmem>>)
      %dma_wait3A_73 = arith.constant 0 : i32
      %dma_wait3A_74 = tpu.memref_slice %arg2[%add3A_11, %dma_wait3A_73] : memref<48x8192xf32, #tpu.memory_space<hbm>> -> memref<1x8192xf32, #tpu.memory_space<hbm>>
      %dma_wait3A_75 = tpu.memref_squeeze %dma_wait3A_74 : memref<1x8192xf32, #tpu.memory_space<hbm>> -> memref<8192xf32, #tpu.memory_space<hbm>>
      %dma_wait3A_76 = arith.constant 0 : i32
      %dma_wait3A_77 = tpu.memref_slice %arg2[%add3A_11, %dma_wait3A_76] : memref<48x8192xf32, #tpu.memory_space<hbm>> -> memref<1x8192xf32, #tpu.memory_space<hbm>>
      %dma_wait3A_78 = tpu.memref_squeeze %dma_wait3A_77 : memref<1x8192xf32, #tpu.memory_space<hbm>> -> memref<8192xf32, #tpu.memory_space<hbm>>
      tpu.wait_dma2 semaphore(%arg18 : memref<!tpu.dma_semaphore, #tpu.memory_space<semaphore_mem>>) src(%dma_wait3A_78 : memref<8192xf32, #tpu.memory_space<hbm>>) dst(%arg7 : memref<8192xf32, #tpu.memory_space<vmem>>)
      %dma_wait3A_79 = arith.constant 0 : i32
      %dma_wait3A_80 = tpu.memref_slice %arg2[%add3A_21, %dma_wait3A_79] : memref<48x8192xf32, #tpu.memory_space<hbm>> -> memref<1x8192xf32, #tpu.memory_space<hbm>>
      %dma_wait3A_81 = tpu.memref_squeeze %dma_wait3A_80 : memref<1x8192xf32, #tpu.memory_space<hbm>> -> memref<8192xf32, #tpu.memory_space<hbm>>
      %dma_wait3A_82 = arith.constant 0 : i32
      %dma_wait3A_83 = tpu.memref_slice %arg2[%add3A_21, %dma_wait3A_82] : memref<48x8192xf32, #tpu.memory_space<hbm>> -> memref<1x8192xf32, #tpu.memory_space<hbm>>
      %dma_wait3A_84 = tpu.memref_squeeze %dma_wait3A_83 : memref<1x8192xf32, #tpu.memory_space<hbm>> -> memref<8192xf32, #tpu.memory_space<hbm>>
      tpu.wait_dma2 semaphore(%arg18 : memref<!tpu.dma_semaphore, #tpu.memory_space<semaphore_mem>>) src(%dma_wait3A_84 : memref<8192xf32, #tpu.memory_space<hbm>>) dst(%arg8 : memref<8192xf32, #tpu.memory_space<vmem>>)
      %dma_wait3A_85 = arith.constant 0 : i32
      %dma_wait3A_86 = tpu.memref_slice %arg2[%add3A_31, %dma_wait3A_85] : memref<48x8192xf32, #tpu.memory_space<hbm>> -> memref<1x8192xf32, #tpu.memory_space<hbm>>
      %dma_wait3A_87 = tpu.memref_squeeze %dma_wait3A_86 : memref<1x8192xf32, #tpu.memory_space<hbm>> -> memref<8192xf32, #tpu.memory_space<hbm>>
      %dma_wait3A_88 = arith.constant 0 : i32
      %dma_wait3A_89 = tpu.memref_slice %arg2[%add3A_31, %dma_wait3A_88] : memref<48x8192xf32, #tpu.memory_space<hbm>> -> memref<1x8192xf32, #tpu.memory_space<hbm>>
      %dma_wait3A_90 = tpu.memref_squeeze %dma_wait3A_89 : memref<1x8192xf32, #tpu.memory_space<hbm>> -> memref<8192xf32, #tpu.memory_space<hbm>>
      tpu.wait_dma2 semaphore(%arg18 : memref<!tpu.dma_semaphore, #tpu.memory_space<semaphore_mem>>) src(%dma_wait3A_90 : memref<8192xf32, #tpu.memory_space<hbm>>) dst(%arg9 : memref<8192xf32, #tpu.memory_space<vmem>>)
      %dma_wait3A_91 = arith.constant 0 : i32
      %dma_wait3A_92 = tpu.memref_slice %arg3[%add3A_41, %dma_wait3A_91] : memref<48x8192xf32, #tpu.memory_space<hbm>> -> memref<1x8192xf32, #tpu.memory_space<hbm>>
      %dma_wait3A_93 = tpu.memref_squeeze %dma_wait3A_92 : memref<1x8192xf32, #tpu.memory_space<hbm>> -> memref<8192xf32, #tpu.memory_space<hbm>>
      %dma_wait3A_94 = arith.constant 0 : i32
      %dma_wait3A_95 = tpu.memref_slice %arg3[%add3A_41, %dma_wait3A_94] : memref<48x8192xf32, #tpu.memory_space<hbm>> -> memref<1x8192xf32, #tpu.memory_space<hbm>>
      %dma_wait3A_96 = tpu.memref_squeeze %dma_wait3A_95 : memref<1x8192xf32, #tpu.memory_space<hbm>> -> memref<8192xf32, #tpu.memory_space<hbm>>
      tpu.wait_dma2 semaphore(%arg18 : memref<!tpu.dma_semaphore, #tpu.memory_space<semaphore_mem>>) src(%dma_wait3A_96 : memref<8192xf32, #tpu.memory_space<hbm>>) dst(%arg10 : memref<8192xf32, #tpu.memory_space<vmem>>)
      %dma_wait3A_97 = arith.constant 0 : i32
      %dma_wait3A_98 = tpu.memref_slice %arg3[%add3A_51, %dma_wait3A_97] : memref<48x8192xf32, #tpu.memory_space<hbm>> -> memref<1x8192xf32, #tpu.memory_space<hbm>>
      %dma_wait3A_99 = tpu.memref_squeeze %dma_wait3A_98 : memref<1x8192xf32, #tpu.memory_space<hbm>> -> memref<8192xf32, #tpu.memory_space<hbm>>
      %dma_wait3A_100 = arith.constant 0 : i32
      %dma_wait3A_101 = tpu.memref_slice %arg3[%add3A_51, %dma_wait3A_100] : memref<48x8192xf32, #tpu.memory_space<hbm>> -> memref<1x8192xf32, #tpu.memory_space<hbm>>
      %dma_wait3A_102 = tpu.memref_squeeze %dma_wait3A_101 : memref<1x8192xf32, #tpu.memory_space<hbm>> -> memref<8192xf32, #tpu.memory_space<hbm>>
      tpu.wait_dma2 semaphore(%arg18 : memref<!tpu.dma_semaphore, #tpu.memory_space<semaphore_mem>>) src(%dma_wait3A_102 : memref<8192xf32, #tpu.memory_space<hbm>>) dst(%arg11 : memref<8192xf32, #tpu.memory_space<vmem>>)
      %dma_wait3A_103 = arith.constant 0 : i32
      %dma_wait3A_104 = tpu.memref_slice %arg3[%add3A_61, %dma_wait3A_103] : memref<48x8192xf32, #tpu.memory_space<hbm>> -> memref<1x8192xf32, #tpu.memory_space<hbm>>
      %dma_wait3A_105 = tpu.memref_squeeze %dma_wait3A_104 : memref<1x8192xf32, #tpu.memory_space<hbm>> -> memref<8192xf32, #tpu.memory_space<hbm>>
      %dma_wait3A_106 = arith.constant 0 : i32
      %dma_wait3A_107 = tpu.memref_slice %arg3[%add3A_61, %dma_wait3A_106] : memref<48x8192xf32, #tpu.memory_space<hbm>> -> memref<1x8192xf32, #tpu.memory_space<hbm>>
      %dma_wait3A_108 = tpu.memref_squeeze %dma_wait3A_107 : memref<1x8192xf32, #tpu.memory_space<hbm>> -> memref<8192xf32, #tpu.memory_space<hbm>>
      tpu.wait_dma2 semaphore(%arg18 : memref<!tpu.dma_semaphore, #tpu.memory_space<semaphore_mem>>) src(%dma_wait3A_108 : memref<8192xf32, #tpu.memory_space<hbm>>) dst(%arg12 : memref<8192xf32, #tpu.memory_space<vmem>>)
      %get3A = arith.constant 0 : index
      %get3A_109 = tpu.vector_load %arg13[%get3A] {strides = array<i32>} : memref<16xf32, #tpu.memory_space<vmem>>, vector<16xf32>,
      %bitcast3A = vector.bitcast %get3A_109 : vector<16xf32> to vector<16xi32>
      %add3A_110 = arith.constant 32767 : i32
      %add3A_111 = vector.broadcast %add3A_110 : i32 to vector<16xi32>
      %add3A_112 = arith.addi %bitcast3A, %add3A_111 : vector<16xi32>
      %shift_right_arithmetic3A = arith.constant 16 : i32
      %shift_right_arithmetic3A_113 = vector.broadcast %shift_right_arithmetic3A : i32 to vector<16xi32>
      %shift_right_arithmetic3A_114 = arith.shrsi %bitcast3A, %shift_right_arithmetic3A_113 : vector<16xi32>
      %and3A = arith.constant 1 : i32
      %and3A_115 = vector.broadcast %and3A : i32 to vector<16xi32>
      %and3A_116 = arith.andi %shift_right_arithmetic3A_114, %and3A_115 : vector<16xi32>
      %add3A_117 = arith.addi %add3A_112, %and3A_116 : vector<16xi32>
      %and3A_118 = arith.constant -65536 : i32
      %and3A_119 = vector.broadcast %and3A_118 : i32 to vector<16xi32>
      %and3A_120 = arith.andi %add3A_117, %and3A_119 : vector<16xi32>
      %bitcast3A_121 = vector.bitcast %and3A_120 : vector<16xi32> to vector<16xf32>
      %slice3A = vector.extract_strided_slice %bitcast3A_121 {offsets = [0], sizes = [1], strides = [1]} : vector<16xf32> to vector<1xf32>
      %squeeze3A = vector.extract %slice3A[0] : f32 from vector<1xf32>
      %slice3A_122 = vector.extract_strided_slice %bitcast3A_121 {offsets = [1], sizes = [1], strides = [1]} : vector<16xf32> to vector<1xf32>
      %squeeze3A_123 = vector.extract %slice3A_122[0] : f32 from vector<1xf32>
      %slice3A_124 = vector.extract_strided_slice %bitcast3A_121 {offsets = [2], sizes = [1], strides = [1]} : vector<16xf32> to vector<1xf32>
      %squeeze3A_125 = vector.extract %slice3A_124[0] : f32 from vector<1xf32>
      %slice3A_126 = vector.extract_strided_slice %bitcast3A_121 {offsets = [3], sizes = [1], strides = [1]} : vector<16xf32> to vector<1xf32>
      %squeeze3A_127 = vector.extract %slice3A_126[0] : f32 from vector<1xf32>
      %slice3A_128 = vector.extract_strided_slice %bitcast3A_121 {offsets = [4], sizes = [1], strides = [1]} : vector<16xf32> to vector<1xf32>
      %squeeze3A_129 = vector.extract %slice3A_128[0] : f32 from vector<1xf32>
      %slice3A_130 = vector.extract_strided_slice %bitcast3A_121 {offsets = [5], sizes = [1], strides = [1]} : vector<16xf32> to vector<1xf32>
      %squeeze3A_131 = vector.extract %slice3A_130[0] : f32 from vector<1xf32>
      %slice3A_132 = vector.extract_strided_slice %bitcast3A_121 {offsets = [6], sizes = [1], strides = [1]} : vector<16xf32> to vector<1xf32>
      %squeeze3A_133 = vector.extract %slice3A_132[0] : f32 from vector<1xf32>
      %slice3A_134 = vector.extract_strided_slice %bitcast3A_121 {offsets = [7], sizes = [1], strides = [1]} : vector<16xf32> to vector<1xf32>
      %squeeze3A_135 = vector.extract %slice3A_134[0] : f32 from vector<1xf32>
      %slice3A_136 = vector.extract_strided_slice %bitcast3A_121 {offsets = [8], sizes = [1], strides = [1]} : vector<16xf32> to vector<1xf32>
      %squeeze3A_137 = vector.extract %slice3A_136[0] : f32 from vector<1xf32>
      %broadcast_in_dim3A = arith.constant 1.000000e+09 : f32
      %broadcast_in_dim3A_138 = vector.broadcast %broadcast_in_dim3A : f32 to vector<16xf32>
      %parallel_loop3A = arith.constant 0 : i32
      %parallel_loop3A_139 = arith.constant 512 : i32
      %parallel_loop3A_140 = arith.constant 1 : i32
      %parallel_loop3A_141 = arith.constant 1.000000e+00 : f32
      %parallel_loop3A_142 = arith.constant 0.000000e+00 : f32
      %parallel_loop3A_143:2 = scf.for %parallel_loop3A_252 = %parallel_loop3A to %parallel_loop3A_139 step %parallel_loop3A_140 iter_args(%parallel_loop3A_253 = %broadcast_in_dim3A_138, %parallel_loop3A_254 = %broadcast_in_dim3A_138) -> (vector<16xf32>, vector<16xf32>)  : i32 {
        %parallel_loop3A_255 = arith.constant 16 : i32
        %parallel_loop3A_256 = arith.muli %parallel_loop3A_252, %parallel_loop3A_255 : i32
        %parallel_loop3A_257 = arith.index_cast %parallel_loop3A_256 : i32 to index
        %parallel_loop3A_258 = tpu.vector_load %arg7[%parallel_loop3A_257] {strides = array<i32>} : memref<8192xf32, #tpu.memory_space<vmem>>, vector<16xf32>,
        %parallel_loop3A_259 = vector.bitcast %parallel_loop3A_258 : vector<16xf32> to vector<16xi32>
        %parallel_loop3A_260 = arith.constant 32767 : i32
        %parallel_loop3A_261 = vector.broadcast %parallel_loop3A_260 : i32 to vector<16xi32>
        %parallel_loop3A_262 = arith.addi %parallel_loop3A_259, %parallel_loop3A_261 : vector<16xi32>
        %parallel_loop3A_263 = arith.constant 16 : i32
        %parallel_loop3A_264 = vector.broadcast %parallel_loop3A_263 : i32 to vector<16xi32>
        %parallel_loop3A_265 = arith.shrsi %parallel_loop3A_259, %parallel_loop3A_264 : vector<16xi32>
        %parallel_loop3A_266 = arith.constant 1 : i32
        %parallel_loop3A_267 = vector.broadcast %parallel_loop3A_266 : i32 to vector<16xi32>
        %parallel_loop3A_268 = arith.andi %parallel_loop3A_265, %parallel_loop3A_267 : vector<16xi32>
        %parallel_loop3A_269 = arith.addi %parallel_loop3A_262, %parallel_loop3A_268 : vector<16xi32>
        %parallel_loop3A_270 = arith.constant -65536 : i32
        %parallel_loop3A_271 = vector.broadcast %parallel_loop3A_270 : i32 to vector<16xi32>
        %parallel_loop3A_272 = arith.andi %parallel_loop3A_269, %parallel_loop3A_271 : vector<16xi32>
        %parallel_loop3A_273 = vector.bitcast %parallel_loop3A_272 : vector<16xi32> to vector<16xf32>
        %parallel_loop3A_274 = arith.index_cast %parallel_loop3A_256 : i32 to index
        %parallel_loop3A_275 = tpu.vector_load %arg8[%parallel_loop3A_274] {strides = array<i32>} : memref<8192xf32, #tpu.memory_space<vmem>>, vector<16xf32>,
        %parallel_loop3A_276 = vector.bitcast %parallel_loop3A_275 : vector<16xf32> to vector<16xi32>
        %parallel_loop3A_277 = arith.constant 32767 : i32
        %parallel_loop3A_278 = vector.broadcast %parallel_loop3A_277 : i32 to vector<16xi32>
        %parallel_loop3A_279 = arith.addi %parallel_loop3A_276, %parallel_loop3A_278 : vector<16xi32>
        %parallel_loop3A_280 = arith.constant 16 : i32
        %parallel_loop3A_281 = vector.broadcast %parallel_loop3A_280 : i32 to vector<16xi32>
        %parallel_loop3A_282 = arith.shrsi %parallel_loop3A_276, %parallel_loop3A_281 : vector<16xi32>
        %parallel_loop3A_283 = arith.constant 1 : i32
        %parallel_loop3A_284 = vector.broadcast %parallel_loop3A_283 : i32 to vector<16xi32>
        %parallel_loop3A_285 = arith.andi %parallel_loop3A_282, %parallel_loop3A_284 : vector<16xi32>
        %parallel_loop3A_286 = arith.addi %parallel_loop3A_279, %parallel_loop3A_285 : vector<16xi32>
        %parallel_loop3A_287 = arith.constant -65536 : i32
        %parallel_loop3A_288 = vector.broadcast %parallel_loop3A_287 : i32 to vector<16xi32>
        %parallel_loop3A_289 = arith.andi %parallel_loop3A_286, %parallel_loop3A_288 : vector<16xi32>
        %parallel_loop3A_290 = vector.bitcast %parallel_loop3A_289 : vector<16xi32> to vector<16xf32>
        %parallel_loop3A_291 = arith.index_cast %parallel_loop3A_256 : i32 to index
        %parallel_loop3A_292 = tpu.vector_load %arg9[%parallel_loop3A_291] {strides = array<i32>} : memref<8192xf32, #tpu.memory_space<vmem>>, vector<16xf32>,
        %parallel_loop3A_293 = vector.bitcast %parallel_loop3A_292 : vector<16xf32> to vector<16xi32>
        %parallel_loop3A_294 = arith.constant 32767 : i32
        %parallel_loop3A_295 = vector.broadcast %parallel_loop3A_294 : i32 to vector<16xi32>
        %parallel_loop3A_296 = arith.addi %parallel_loop3A_293, %parallel_loop3A_295 : vector<16xi32>
        %parallel_loop3A_297 = arith.constant 16 : i32
        %parallel_loop3A_298 = vector.broadcast %parallel_loop3A_297 : i32 to vector<16xi32>
        %parallel_loop3A_299 = arith.shrsi %parallel_loop3A_293, %parallel_loop3A_298 : vector<16xi32>
        %parallel_loop3A_300 = arith.constant 1 : i32
        %parallel_loop3A_301 = vector.broadcast %parallel_loop3A_300 : i32 to vector<16xi32>
        %parallel_loop3A_302 = arith.andi %parallel_loop3A_299, %parallel_loop3A_301 : vector<16xi32>
        %parallel_loop3A_303 = arith.addi %parallel_loop3A_296, %parallel_loop3A_302 : vector<16xi32>
        %parallel_loop3A_304 = arith.constant -65536 : i32
        %parallel_loop3A_305 = vector.broadcast %parallel_loop3A_304 : i32 to vector<16xi32>
        %parallel_loop3A_306 = arith.andi %parallel_loop3A_303, %parallel_loop3A_305 : vector<16xi32>
        %parallel_loop3A_307 = vector.bitcast %parallel_loop3A_306 : vector<16xi32> to vector<16xf32>
        %parallel_loop3A_308 = vector.broadcast %squeeze3A : f32 to vector<16xf32>
        %parallel_loop3A_309 = arith.mulf %parallel_loop3A_308, %parallel_loop3A_273 : vector<16xf32>
        %parallel_loop3A_310 = vector.broadcast %squeeze3A_123 : f32 to vector<16xf32>
        %parallel_loop3A_311 = arith.mulf %parallel_loop3A_310, %parallel_loop3A_290 : vector<16xf32>
        %parallel_loop3A_312 = arith.addf %parallel_loop3A_309, %parallel_loop3A_311 : vector<16xf32>
        %parallel_loop3A_313 = vector.broadcast %squeeze3A_125 : f32 to vector<16xf32>
        %parallel_loop3A_314 = arith.mulf %parallel_loop3A_313, %parallel_loop3A_307 : vector<16xf32>
        %parallel_loop3A_315 = arith.addf %parallel_loop3A_312, %parallel_loop3A_314 : vector<16xf32>
        %parallel_loop3A_316 = vector.broadcast %squeeze3A_127 : f32 to vector<16xf32>
        %parallel_loop3A_317 = arith.mulf %parallel_loop3A_316, %parallel_loop3A_273 : vector<16xf32>
        %parallel_loop3A_318 = vector.broadcast %squeeze3A_129 : f32 to vector<16xf32>
        %parallel_loop3A_319 = arith.mulf %parallel_loop3A_318, %parallel_loop3A_290 : vector<16xf32>
        %parallel_loop3A_320 = arith.addf %parallel_loop3A_317, %parallel_loop3A_319 : vector<16xf32>
        %parallel_loop3A_321 = vector.broadcast %squeeze3A_131 : f32 to vector<16xf32>
        %parallel_loop3A_322 = arith.mulf %parallel_loop3A_321, %parallel_loop3A_307 : vector<16xf32>
        %parallel_loop3A_323 = arith.addf %parallel_loop3A_320, %parallel_loop3A_322 : vector<16xf32>
        %parallel_loop3A_324 = vector.broadcast %squeeze3A_133 : f32 to vector<16xf32>
        %parallel_loop3A_325 = arith.mulf %parallel_loop3A_324, %parallel_loop3A_273 : vector<16xf32>
        %parallel_loop3A_326 = vector.broadcast %squeeze3A_135 : f32 to vector<16xf32>
        %parallel_loop3A_327 = arith.mulf %parallel_loop3A_326, %parallel_loop3A_290 : vector<16xf32>
        %parallel_loop3A_328 = arith.addf %parallel_loop3A_325, %parallel_loop3A_327 : vector<16xf32>
        %parallel_loop3A_329 = vector.broadcast %squeeze3A_137 : f32 to vector<16xf32>
        %parallel_loop3A_330 = arith.mulf %parallel_loop3A_329, %parallel_loop3A_307 : vector<16xf32>
        %parallel_loop3A_331 = arith.addf %parallel_loop3A_328, %parallel_loop3A_330 : vector<16xf32>
        %parallel_loop3A_332 = arith.constant 3.000000e+00 : f32
        %parallel_loop3A_333 = vector.broadcast %parallel_loop3A_332 : f32 to vector<16xf32>
        %parallel_loop3A_334 = arith.divf %parallel_loop3A_315, %parallel_loop3A_333 : vector<16xf32>
        %parallel_loop3A_335 = arith.constant 0x4B400000 : f32
        %parallel_loop3A_336 = vector.broadcast %parallel_loop3A_335 : f32 to vector<16xf32>
        %parallel_loop3A_337 = arith.addf %parallel_loop3A_334, %parallel_loop3A_336 : vector<16xf32>
        %parallel_loop3A_338 = arith.constant 0x4B400000 : f32
        %parallel_loop3A_339 = vector.broadcast %parallel_loop3A_338 : f32 to vector<16xf32>
        %parallel_loop3A_340 = arith.subf %parallel_loop3A_337, %parallel_loop3A_339 : vector<16xf32>
        %parallel_loop3A_341 = arith.constant 3.000000e+00 : f32
        %parallel_loop3A_342 = vector.broadcast %parallel_loop3A_341 : f32 to vector<16xf32>
        %parallel_loop3A_343 = arith.divf %parallel_loop3A_323, %parallel_loop3A_342 : vector<16xf32>
        %parallel_loop3A_344 = arith.constant 0x4B400000 : f32
        %parallel_loop3A_345 = vector.broadcast %parallel_loop3A_344 : f32 to vector<16xf32>
        %parallel_loop3A_346 = arith.addf %parallel_loop3A_343, %parallel_loop3A_345 : vector<16xf32>
        %parallel_loop3A_347 = arith.constant 0x4B400000 : f32
        %parallel_loop3A_348 = vector.broadcast %parallel_loop3A_347 : f32 to vector<16xf32>
        %parallel_loop3A_349 = arith.subf %parallel_loop3A_346, %parallel_loop3A_348 : vector<16xf32>
        %parallel_loop3A_350 = arith.constant 3.000000e+00 : f32
        %parallel_loop3A_351 = vector.broadcast %parallel_loop3A_350 : f32 to vector<16xf32>
        %parallel_loop3A_352 = arith.divf %parallel_loop3A_331, %parallel_loop3A_351 : vector<16xf32>
        %parallel_loop3A_353 = arith.constant 0x4B400000 : f32
        %parallel_loop3A_354 = vector.broadcast %parallel_loop3A_353 : f32 to vector<16xf32>
        %parallel_loop3A_355 = arith.addf %parallel_loop3A_352, %parallel_loop3A_354 : vector<16xf32>
        %parallel_loop3A_356 = arith.constant 0x4B400000 : f32
        %parallel_loop3A_357 = vector.broadcast %parallel_loop3A_356 : f32 to vector<16xf32>
        %parallel_loop3A_358 = arith.subf %parallel_loop3A_355, %parallel_loop3A_357 : vector<16xf32>
        %parallel_loop3A_359 = arith.constant 3.000000e+00 : f32
        %parallel_loop3A_360 = vector.broadcast %parallel_loop3A_359 : f32 to vector<16xf32>
        %parallel_loop3A_361 = arith.mulf %parallel_loop3A_360, %parallel_loop3A_340 : vector<16xf32>
        %parallel_loop3A_362 = arith.subf %parallel_loop3A_315, %parallel_loop3A_361 : vector<16xf32>
        %parallel_loop3A_363 = arith.constant 3.000000e+00 : f32
        %parallel_loop3A_364 = vector.broadcast %parallel_loop3A_363 : f32 to vector<16xf32>
        %parallel_loop3A_365 = arith.mulf %parallel_loop3A_364, %parallel_loop3A_349 : vector<16xf32>
        %parallel_loop3A_366 = arith.subf %parallel_loop3A_323, %parallel_loop3A_365 : vector<16xf32>
        %parallel_loop3A_367 = arith.constant 3.000000e+00 : f32
        %parallel_loop3A_368 = vector.broadcast %parallel_loop3A_367 : f32 to vector<16xf32>
        %parallel_loop3A_369 = arith.mulf %parallel_loop3A_368, %parallel_loop3A_358 : vector<16xf32>
        %parallel_loop3A_370 = arith.subf %parallel_loop3A_331, %parallel_loop3A_369 : vector<16xf32>
        %parallel_loop3A_371 = arith.cmpf ogt, %parallel_loop3A_366, %parallel_loop3A_362 : vector<16xf32>
        %parallel_loop3A_372 = vector.broadcast %parallel_loop3A_141 : f32 to vector<16xf32>
        %parallel_loop3A_373 = vector.broadcast %parallel_loop3A_142 : f32 to vector<16xf32>
        %parallel_loop3A_374 = arith.select %parallel_loop3A_371, %parallel_loop3A_372, %parallel_loop3A_373 : vector<16xi1>, vector<16xf32>
        %parallel_loop3A_375 = arith.cmpf ogt, %parallel_loop3A_370, %parallel_loop3A_362 : vector<16xf32>
        %parallel_loop3A_376 = vector.broadcast %parallel_loop3A_141 : f32 to vector<16xf32>
        %parallel_loop3A_377 = vector.broadcast %parallel_loop3A_142 : f32 to vector<16xf32>
        %parallel_loop3A_378 = arith.select %parallel_loop3A_375, %parallel_loop3A_376, %parallel_loop3A_377 : vector<16xi1>, vector<16xf32>
        %parallel_loop3A_379 = arith.addf %parallel_loop3A_374, %parallel_loop3A_378 : vector<16xf32>
        %parallel_loop3A_380 = arith.cmpf oge, %parallel_loop3A_362, %parallel_loop3A_366 : vector<16xf32>
        %parallel_loop3A_381 = vector.broadcast %parallel_loop3A_141 : f32 to vector<16xf32>
        %parallel_loop3A_382 = vector.broadcast %parallel_loop3A_142 : f32 to vector<16xf32>
        %parallel_loop3A_383 = arith.select %parallel_loop3A_380, %parallel_loop3A_381, %parallel_loop3A_382 : vector<16xi1>, vector<16xf32>
        %parallel_loop3A_384 = arith.cmpf ogt, %parallel_loop3A_370, %parallel_loop3A_366 : vector<16xf32>
        %parallel_loop3A_385 = vector.broadcast %parallel_loop3A_141 : f32 to vector<16xf32>
        %parallel_loop3A_386 = vector.broadcast %parallel_loop3A_142 : f32 to vector<16xf32>
        %parallel_loop3A_387 = arith.select %parallel_loop3A_384, %parallel_loop3A_385, %parallel_loop3A_386 : vector<16xi1>, vector<16xf32>
        %parallel_loop3A_388 = arith.addf %parallel_loop3A_383, %parallel_loop3A_387 : vector<16xf32>
        %parallel_loop3A_389 = arith.addf %parallel_loop3A_340, %parallel_loop3A_349 : vector<16xf32>
        %parallel_loop3A_390 = arith.addf %parallel_loop3A_389, %parallel_loop3A_358 : vector<16xf32>
        %parallel_loop3A_391 = arith.addf %parallel_loop3A_379, %parallel_loop3A_390 : vector<16xf32>
        %parallel_loop3A_392 = arith.addf %parallel_loop3A_388, %parallel_loop3A_390 : vector<16xf32>
        %parallel_loop3A_393 = arith.constant 0.000000e+00 : f32
        %parallel_loop3A_394 = vector.broadcast %parallel_loop3A_393 : f32 to vector<16xf32>
        %parallel_loop3A_395 = arith.cmpf olt, %parallel_loop3A_391, %parallel_loop3A_394 : vector<16xf32>
        %parallel_loop3A_396 = vector.broadcast %parallel_loop3A_141 : f32 to vector<16xf32>
        %parallel_loop3A_397 = vector.broadcast %parallel_loop3A_142 : f32 to vector<16xf32>
        %parallel_loop3A_398 = arith.select %parallel_loop3A_395, %parallel_loop3A_396, %parallel_loop3A_397 : vector<16xi1>, vector<16xf32>
        %parallel_loop3A_399 = arith.constant 3.000000e+00 : f32
        %parallel_loop3A_400 = vector.broadcast %parallel_loop3A_399 : f32 to vector<16xf32>
        %parallel_loop3A_401 = arith.cmpf oge, %parallel_loop3A_391, %parallel_loop3A_400 : vector<16xf32>
        %parallel_loop3A_402 = vector.broadcast %parallel_loop3A_141 : f32 to vector<16xf32>
        %parallel_loop3A_403 = vector.broadcast %parallel_loop3A_142 : f32 to vector<16xf32>
        %parallel_loop3A_404 = arith.select %parallel_loop3A_401, %parallel_loop3A_402, %parallel_loop3A_403 : vector<16xi1>, vector<16xf32>
        %parallel_loop3A_405 = arith.subf %parallel_loop3A_398, %parallel_loop3A_404 : vector<16xf32>
        %parallel_loop3A_406 = arith.constant 0.000000e+00 : f32
        %parallel_loop3A_407 = vector.broadcast %parallel_loop3A_406 : f32 to vector<16xf32>
        %parallel_loop3A_408 = arith.cmpf olt, %parallel_loop3A_392, %parallel_loop3A_407 : vector<16xf32>
        %parallel_loop3A_409 = vector.broadcast %parallel_loop3A_141 : f32 to vector<16xf32>
        %parallel_loop3A_410 = vector.broadcast %parallel_loop3A_142 : f32 to vector<16xf32>
        %parallel_loop3A_411 = arith.select %parallel_loop3A_408, %parallel_loop3A_409, %parallel_loop3A_410 : vector<16xi1>, vector<16xf32>
        %parallel_loop3A_412 = arith.constant 3.000000e+00 : f32
        %parallel_loop3A_413 = vector.broadcast %parallel_loop3A_412 : f32 to vector<16xf32>
        %parallel_loop3A_414 = arith.cmpf oge, %parallel_loop3A_392, %parallel_loop3A_413 : vector<16xf32>
        %parallel_loop3A_415 = vector.broadcast %parallel_loop3A_141 : f32 to vector<16xf32>
        %parallel_loop3A_416 = vector.broadcast %parallel_loop3A_142 : f32 to vector<16xf32>
        %parallel_loop3A_417 = arith.select %parallel_loop3A_414, %parallel_loop3A_415, %parallel_loop3A_416 : vector<16xi1>, vector<16xf32>
        %parallel_loop3A_418 = arith.subf %parallel_loop3A_411, %parallel_loop3A_417 : vector<16xf32>
        %parallel_loop3A_419 = arith.addf %parallel_loop3A_340, %parallel_loop3A_405 : vector<16xf32>
        %parallel_loop3A_420 = arith.addf %parallel_loop3A_349, %parallel_loop3A_418 : vector<16xf32>
        %parallel_loop3A_421 = arith.constant 3.000000e+00 : f32
        %parallel_loop3A_422 = vector.broadcast %parallel_loop3A_421 : f32 to vector<16xf32>
        %parallel_loop3A_423 = arith.mulf %parallel_loop3A_422, %parallel_loop3A_405 : vector<16xf32>
        %parallel_loop3A_424 = arith.addf %parallel_loop3A_391, %parallel_loop3A_423 : vector<16xf32>
        %parallel_loop3A_425 = arith.constant 0.000000e+00 : f32
        %parallel_loop3A_426 = arith.constant 2.000000e+00 : f32
        %parallel_loop3A_427 = vector.broadcast %parallel_loop3A_425 : f32 to vector<16xf32>
        %parallel_loop3A_428 = arith.maximumf %parallel_loop3A_427, %parallel_loop3A_424 : vector<16xf32>
        %parallel_loop3A_429 = vector.broadcast %parallel_loop3A_426 : f32 to vector<16xf32>
        %parallel_loop3A_430 = arith.minimumf %parallel_loop3A_429, %parallel_loop3A_428 : vector<16xf32>
        %parallel_loop3A_431 = arith.constant 3.000000e+00 : f32
        %parallel_loop3A_432 = vector.broadcast %parallel_loop3A_431 : f32 to vector<16xf32>
        %parallel_loop3A_433 = arith.mulf %parallel_loop3A_432, %parallel_loop3A_418 : vector<16xf32>
        %parallel_loop3A_434 = arith.addf %parallel_loop3A_392, %parallel_loop3A_433 : vector<16xf32>
        %parallel_loop3A_435 = arith.constant 0.000000e+00 : f32
        %parallel_loop3A_436 = arith.constant 2.000000e+00 : f32
        %parallel_loop3A_437 = vector.broadcast %parallel_loop3A_435 : f32 to vector<16xf32>
        %parallel_loop3A_438 = arith.maximumf %parallel_loop3A_437, %parallel_loop3A_434 : vector<16xf32>
        %parallel_loop3A_439 = vector.broadcast %parallel_loop3A_436 : f32 to vector<16xf32>
        %parallel_loop3A_440 = arith.minimumf %parallel_loop3A_439, %parallel_loop3A_438 : vector<16xf32>
        %parallel_loop3A_441 = arith.constant 3.000000e+00 : f32
        %parallel_loop3A_442 = vector.broadcast %parallel_loop3A_441 : f32 to vector<16xf32>
        %parallel_loop3A_443 = arith.mulf %parallel_loop3A_442, %parallel_loop3A_419 : vector<16xf32>
        %parallel_loop3A_444 = arith.subf %parallel_loop3A_443, %parallel_loop3A_430 : vector<16xf32>
        %parallel_loop3A_445 = arith.constant 3.000000e+00 : f32
        %parallel_loop3A_446 = vector.broadcast %parallel_loop3A_445 : f32 to vector<16xf32>
        %parallel_loop3A_447 = arith.mulf %parallel_loop3A_446, %parallel_loop3A_420 : vector<16xf32>
        %parallel_loop3A_448 = arith.subf %parallel_loop3A_447, %parallel_loop3A_440 : vector<16xf32>
        %parallel_loop3A_449 = arith.fptosi %parallel_loop3A_419 : vector<16xf32> to vector<16xi32>
        %parallel_loop3A_450 = arith.index_cast %parallel_loop3A_256 : i32 to index
        %parallel_loop3A_451 = tpu.vector_load %arg14[%parallel_loop3A_450] {strides = array<i32>} : memref<8192xi32, #tpu.memory_space<vmem>>, vector<16xi32>,
        tpu.vector_store %arg14[%parallel_loop3A_450], %parallel_loop3A_449 {strides = array<i32>} : memref<8192xi32, #tpu.memory_space<vmem>>, vector<16xi32>,
        %parallel_loop3A_452 = arith.fptosi %parallel_loop3A_420 : vector<16xf32> to vector<16xi32>
        %parallel_loop3A_453 = arith.index_cast %parallel_loop3A_256 : i32 to index
        %parallel_loop3A_454 = tpu.vector_load %arg15[%parallel_loop3A_453] {strides = array<i32>} : memref<8192xi32, #tpu.memory_space<vmem>>, vector<16xi32>,
        tpu.vector_store %arg15[%parallel_loop3A_453], %parallel_loop3A_452 {strides = array<i32>} : memref<8192xi32, #tpu.memory_space<vmem>>, vector<16xi32>,
        %parallel_loop3A_455 = arith.minimumf %parallel_loop3A_253, %parallel_loop3A_444 : vector<16xf32>
        %parallel_loop3A_456 = arith.minimumf %parallel_loop3A_254, %parallel_loop3A_448 : vector<16xf32>
        scf.yield %parallel_loop3A_455, %parallel_loop3A_456 : vector<16xf32>, vector<16xf32>
      } {sc.loop_unroll_factor = 4 : i64, sc.parallel_access}
      %slice3A_144 = vector.extract_strided_slice %parallel_loop3A_143#0 {offsets = [0], sizes = [1], strides = [1]} : vector<16xf32> to vector<1xf32>
      %squeeze3A_145 = vector.extract %slice3A_144[0] : f32 from vector<1xf32>
      %slice3A_146 = vector.extract_strided_slice %parallel_loop3A_143#0 {offsets = [1], sizes = [1], strides = [1]} : vector<16xf32> to vector<1xf32>
      %squeeze3A_147 = vector.extract %slice3A_146[0] : f32 from vector<1xf32>
      %min3A = arith.minimumf %squeeze3A_145, %squeeze3A_147 : f32
      %slice3A_148 = vector.extract_strided_slice %parallel_loop3A_143#0 {offsets = [2], sizes = [1], strides = [1]} : vector<16xf32> to vector<1xf32>
      %squeeze3A_149 = vector.extract %slice3A_148[0] : f32 from vector<1xf32>
      %min3A_150 = arith.minimumf %min3A, %squeeze3A_149 : f32
      %slice3A_151 = vector.extract_strided_slice %parallel_loop3A_143#0 {offsets = [3], sizes = [1], strides = [1]} : vector<16xf32> to vector<1xf32>
      %squeeze3A_152 = vector.extract %slice3A_151[0] : f32 from vector<1xf32>
      %min3A_153 = arith.minimumf %min3A_150, %squeeze3A_152 : f32
      %slice3A_154 = vector.extract_strided_slice %parallel_loop3A_143#0 {offsets = [4], sizes = [1], strides = [1]} : vector<16xf32> to vector<1xf32>
      %squeeze3A_155 = vector.extract %slice3A_154[0] : f32 from vector<1xf32>
      %min3A_156 = arith.minimumf %min3A_153, %squeeze3A_155 : f32
      %slice3A_157 = vector.extract_strided_slice %parallel_loop3A_143#0 {offsets = [5], sizes = [1], strides = [1]} : vector<16xf32> to vector<1xf32>
      %squeeze3A_158 = vector.extract %slice3A_157[0] : f32 from vector<1xf32>
      %min3A_159 = arith.minimumf %min3A_156, %squeeze3A_158 : f32
      %slice3A_160 = vector.extract_strided_slice %parallel_loop3A_143#0 {offsets = [6], sizes = [1], strides = [1]} : vector<16xf32> to vector<1xf32>
      %squeeze3A_161 = vector.extract %slice3A_160[0] : f32 from vector<1xf32>
      %min3A_162 = arith.minimumf %min3A_159, %squeeze3A_161 : f32
      %slice3A_163 = vector.extract_strided_slice %parallel_loop3A_143#0 {offsets = [7], sizes = [1], strides = [1]} : vector<16xf32> to vector<1xf32>
      %squeeze3A_164 = vector.extract %slice3A_163[0] : f32 from vector<1xf32>
      %min3A_165 = arith.minimumf %min3A_162, %squeeze3A_164 : f32
      %slice3A_166 = vector.extract_strided_slice %parallel_loop3A_143#0 {offsets = [8], sizes = [1], strides = [1]} : vector<16xf32> to vector<1xf32>
      %squeeze3A_167 = vector.extract %slice3A_166[0] : f32 from vector<1xf32>
      %min3A_168 = arith.minimumf %min3A_165, %squeeze3A_167 : f32
      %slice3A_169 = vector.extract_strided_slice %parallel_loop3A_143#0 {offsets = [9], sizes = [1], strides = [1]} : vector<16xf32> to vector<1xf32>
      %squeeze3A_170 = vector.extract %slice3A_169[0] : f32 from vector<1xf32>
      %min3A_171 = arith.minimumf %min3A_168, %squeeze3A_170 : f32
      %slice3A_172 = vector.extract_strided_slice %parallel_loop3A_143#0 {offsets = [10], sizes = [1], strides = [1]} : vector<16xf32> to vector<1xf32>
      %squeeze3A_173 = vector.extract %slice3A_172[0] : f32 from vector<1xf32>
      %min3A_174 = arith.minimumf %min3A_171, %squeeze3A_173 : f32
      %slice3A_175 = vector.extract_strided_slice %parallel_loop3A_143#0 {offsets = [11], sizes = [1], strides = [1]} : vector<16xf32> to vector<1xf32>
      %squeeze3A_176 = vector.extract %slice3A_175[0] : f32 from vector<1xf32>
      %min3A_177 = arith.minimumf %min3A_174, %squeeze3A_176 : f32
      %slice3A_178 = vector.extract_strided_slice %parallel_loop3A_143#0 {offsets = [12], sizes = [1], strides = [1]} : vector<16xf32> to vector<1xf32>
      %squeeze3A_179 = vector.extract %slice3A_178[0] : f32 from vector<1xf32>
      %min3A_180 = arith.minimumf %min3A_177, %squeeze3A_179 : f32
      %slice3A_181 = vector.extract_strided_slice %parallel_loop3A_143#0 {offsets = [13], sizes = [1], strides = [1]} : vector<16xf32> to vector<1xf32>
      %squeeze3A_182 = vector.extract %slice3A_181[0] : f32 from vector<1xf32>
      %min3A_183 = arith.minimumf %min3A_180, %squeeze3A_182 : f32
      %slice3A_184 = vector.extract_strided_slice %parallel_loop3A_143#0 {offsets = [14], sizes = [1], strides = [1]} : vector<16xf32> to vector<1xf32>
      %squeeze3A_185 = vector.extract %slice3A_184[0] : f32 from vector<1xf32>
      %min3A_186 = arith.minimumf %min3A_183, %squeeze3A_185 : f32
      %slice3A_187 = vector.extract_strided_slice %parallel_loop3A_143#0 {offsets = [15], sizes = [1], strides = [1]} : vector<16xf32> to vector<1xf32>
      %squeeze3A_188 = vector.extract %slice3A_187[0] : f32 from vector<1xf32>
      %min3A_189 = arith.minimumf %min3A_186, %squeeze3A_188 : f32
      %convert_element_type3A_190 = arith.fptosi %min3A_189 : f32 to i32
      %slice3A_191 = vector.extract_strided_slice %parallel_loop3A_143#1 {offsets = [0], sizes = [1], strides = [1]} : vector<16xf32> to vector<1xf32>
      %squeeze3A_192 = vector.extract %slice3A_191[0] : f32 from vector<1xf32>
      %slice3A_193 = vector.extract_strided_slice %parallel_loop3A_143#1 {offsets = [1], sizes = [1], strides = [1]} : vector<16xf32> to vector<1xf32>
      %squeeze3A_194 = vector.extract %slice3A_193[0] : f32 from vector<1xf32>
      %min3A_195 = arith.minimumf %squeeze3A_192, %squeeze3A_194 : f32
      %slice3A_196 = vector.extract_strided_slice %parallel_loop3A_143#1 {offsets = [2], sizes = [1], strides = [1]} : vector<16xf32> to vector<1xf32>
      %squeeze3A_197 = vector.extract %slice3A_196[0] : f32 from vector<1xf32>
      %min3A_198 = arith.minimumf %min3A_195, %squeeze3A_197 : f32
      %slice3A_199 = vector.extract_strided_slice %parallel_loop3A_143#1 {offsets = [3], sizes = [1], strides = [1]} : vector<16xf32> to vector<1xf32>
      %squeeze3A_200 = vector.extract %slice3A_199[0] : f32 from vector<1xf32>
      %min3A_201 = arith.minimumf %min3A_198, %squeeze3A_200 : f32
      %slice3A_202 = vector.extract_strided_slice %parallel_loop3A_143#1 {offsets = [4], sizes = [1], strides = [1]} : vector<16xf32> to vector<1xf32>
      %squeeze3A_203 = vector.extract %slice3A_202[0] : f32 from vector<1xf32>
      %min3A_204 = arith.minimumf %min3A_201, %squeeze3A_203 : f32
      %slice3A_205 = vector.extract_strided_slice %parallel_loop3A_143#1 {offsets = [5], sizes = [1], strides = [1]} : vector<16xf32> to vector<1xf32>
      %squeeze3A_206 = vector.extract %slice3A_205[0] : f32 from vector<1xf32>
      %min3A_207 = arith.minimumf %min3A_204, %squeeze3A_206 : f32
      %slice3A_208 = vector.extract_strided_slice %parallel_loop3A_143#1 {offsets = [6], sizes = [1], strides = [1]} : vector<16xf32> to vector<1xf32>
      %squeeze3A_209 = vector.extract %slice3A_208[0] : f32 from vector<1xf32>
      %min3A_210 = arith.minimumf %min3A_207, %squeeze3A_209 : f32
      %slice3A_211 = vector.extract_strided_slice %parallel_loop3A_143#1 {offsets = [7], sizes = [1], strides = [1]} : vector<16xf32> to vector<1xf32>
      %squeeze3A_212 = vector.extract %slice3A_211[0] : f32 from vector<1xf32>
      %min3A_213 = arith.minimumf %min3A_210, %squeeze3A_212 : f32
      %slice3A_214 = vector.extract_strided_slice %parallel_loop3A_143#1 {offsets = [8], sizes = [1], strides = [1]} : vector<16xf32> to vector<1xf32>
      %squeeze3A_215 = vector.extract %slice3A_214[0] : f32 from vector<1xf32>
      %min3A_216 = arith.minimumf %min3A_213, %squeeze3A_215 : f32
      %slice3A_217 = vector.extract_strided_slice %parallel_loop3A_143#1 {offsets = [9], sizes = [1], strides = [1]} : vector<16xf32> to vector<1xf32>
      %squeeze3A_218 = vector.extract %slice3A_217[0] : f32 from vector<1xf32>
      %min3A_219 = arith.minimumf %min3A_216, %squeeze3A_218 : f32
      %slice3A_220 = vector.extract_strided_slice %parallel_loop3A_143#1 {offsets = [10], sizes = [1], strides = [1]} : vector<16xf32> to vector<1xf32>
      %squeeze3A_221 = vector.extract %slice3A_220[0] : f32 from vector<1xf32>
      %min3A_222 = arith.minimumf %min3A_219, %squeeze3A_221 : f32
      %slice3A_223 = vector.extract_strided_slice %parallel_loop3A_143#1 {offsets = [11], sizes = [1], strides = [1]} : vector<16xf32> to vector<1xf32>
      %squeeze3A_224 = vector.extract %slice3A_223[0] : f32 from vector<1xf32>
      %min3A_225 = arith.minimumf %min3A_222, %squeeze3A_224 : f32
      %slice3A_226 = vector.extract_strided_slice %parallel_loop3A_143#1 {offsets = [12], sizes = [1], strides = [1]} : vector<16xf32> to vector<1xf32>
      %squeeze3A_227 = vector.extract %slice3A_226[0] : f32 from vector<1xf32>
      %min3A_228 = arith.minimumf %min3A_225, %squeeze3A_227 : f32
      %slice3A_229 = vector.extract_strided_slice %parallel_loop3A_143#1 {offsets = [13], sizes = [1], strides = [1]} : vector<16xf32> to vector<1xf32>
      %squeeze3A_230 = vector.extract %slice3A_229[0] : f32 from vector<1xf32>
      %min3A_231 = arith.minimumf %min3A_228, %squeeze3A_230 : f32
      %slice3A_232 = vector.extract_strided_slice %parallel_loop3A_143#1 {offsets = [14], sizes = [1], strides = [1]} : vector<16xf32> to vector<1xf32>
      %squeeze3A_233 = vector.extract %slice3A_232[0] : f32 from vector<1xf32>
      %min3A_234 = arith.minimumf %min3A_231, %squeeze3A_233 : f32
      %slice3A_235 = vector.extract_strided_slice %parallel_loop3A_143#1 {offsets = [15], sizes = [1], strides = [1]} : vector<16xf32> to vector<1xf32>
      %squeeze3A_236 = vector.extract %slice3A_235[0] : f32 from vector<1xf32>
      %min3A_237 = arith.minimumf %min3A_234, %squeeze3A_236 : f32
      %convert_element_type3A_238 = arith.fptosi %min3A_237 : f32 to i32
      %add3A_239 = arith.constant 3074 : i32
      %add3A_240 = arith.addi %convert_element_type3A_190, %add3A_239 : i32
      %div3A = arith.constant 3 : i32
      %div3A_241 = arith.divsi %add3A_240, %div3A : i32
      %sub3A = arith.constant 1024 : i32
      %sub3A_242 = arith.subi %div3A_241, %sub3A : i32
      %add3A_243 = arith.constant 3074 : i32
      %add3A_244 = arith.addi %convert_element_type3A_238, %add3A_243 : i32
      %div3A_245 = arith.constant 3 : i32
      %div3A_246 = arith.divsi %add3A_244, %div3A_245 : i32
      %sub3A_247 = arith.constant 1024 : i32
      %sub3A_248 = arith.subi %div3A_246, %sub3A_247 : i32
      tpu.wait_dma2 semaphore(%arg17 : memref<!tpu.dma_semaphore, #tpu.memory_space<semaphore_mem>>) src(%arg5 : memref<49152xf32, #tpu.memory_space<hbm>>) dst(%arg16 : memref<49152xf32, #tpu.memory_space<vmem>>)
      %parallel_loop3A_249 = arith.constant 0 : i32
      %parallel_loop3A_250 = arith.constant 512 : i32
      %parallel_loop3A_251 = arith.constant 1 : i32
      scf.for %parallel_loop3A_252 = %parallel_loop3A_249 to %parallel_loop3A_250 step %parallel_loop3A_251  : i32 {
        %parallel_loop3A_253 = arith.constant 16 : i32
        %parallel_loop3A_254 = arith.muli %parallel_loop3A_252, %parallel_loop3A_253 : i32
        %parallel_loop3A_255 = arith.index_cast %parallel_loop3A_254 : i32 to index
        %parallel_loop3A_256 = tpu.vector_load %arg14[%parallel_loop3A_255] {strides = array<i32>} : memref<8192xi32, #tpu.memory_space<vmem>>, vector<16xi32>,
        %parallel_loop3A_257 = vector.broadcast %sub3A_242 : i32 to vector<16xi32>
        %parallel_loop3A_258 = arith.subi %parallel_loop3A_256, %parallel_loop3A_257 : vector<16xi32>
        %parallel_loop3A_259 = arith.index_cast %parallel_loop3A_254 : i32 to index
        %parallel_loop3A_260 = tpu.vector_load %arg15[%parallel_loop3A_259] {strides = array<i32>} : memref<8192xi32, #tpu.memory_space<vmem>>, vector<16xi32>,
        %parallel_loop3A_261 = vector.broadcast %sub3A_248 : i32 to vector<16xi32>
        %parallel_loop3A_262 = arith.subi %parallel_loop3A_260, %parallel_loop3A_261 : vector<16xi32>
        %parallel_loop3A_263 = arith.constant 0 : i32
        %parallel_loop3A_264 = vector.broadcast %parallel_loop3A_263 : i32 to vector<16xi32>
        %parallel_loop3A_265 = arith.cmpi sge, %parallel_loop3A_258, %parallel_loop3A_264 : vector<16xi32>
        %parallel_loop3A_266 = arith.constant 128 : i32
        %parallel_loop3A_267 = vector.broadcast %parallel_loop3A_266 : i32 to vector<16xi32>
        %parallel_loop3A_268 = arith.cmpi slt, %parallel_loop3A_258, %parallel_loop3A_267 : vector<16xi32>
        %parallel_loop3A_269 = arith.andi %parallel_loop3A_265, %parallel_loop3A_268 : vector<16xi1>
        %parallel_loop3A_270 = arith.constant 0 : i32
        %parallel_loop3A_271 = vector.broadcast %parallel_loop3A_270 : i32 to vector<16xi32>
        %parallel_loop3A_272 = arith.cmpi sge, %parallel_loop3A_262, %parallel_loop3A_271 : vector<16xi32>
        %parallel_loop3A_273 = arith.constant 128 : i32
        %parallel_loop3A_274 = vector.broadcast %parallel_loop3A_273 : i32 to vector<16xi32>
        %parallel_loop3A_275 = arith.cmpi slt, %parallel_loop3A_262, %parallel_loop3A_274 : vector<16xi32>
        %parallel_loop3A_276 = arith.andi %parallel_loop3A_272, %parallel_loop3A_275 : vector<16xi1>
        %parallel_loop3A_277 = arith.andi %parallel_loop3A_269, %parallel_loop3A_276 : vector<16xi1>
        %parallel_loop3A_278 = arith.constant 384 : i32
        %parallel_loop3A_279 = vector.broadcast %parallel_loop3A_278 : i32 to vector<16xi32>
        %parallel_loop3A_280 = arith.muli %parallel_loop3A_258, %parallel_loop3A_279 : vector<16xi32>
        %parallel_loop3A_281 = arith.constant 3 : i32
        %parallel_loop3A_282 = vector.broadcast %parallel_loop3A_281 : i32 to vector<16xi32>
        %parallel_loop3A_283 = arith.muli %parallel_loop3A_262, %parallel_loop3A_282 : vector<16xi32>
        %parallel_loop3A_284 = arith.addi %parallel_loop3A_280, %parallel_loop3A_283 : vector<16xi32>
        %parallel_loop3A_285 = arith.index_cast %parallel_loop3A_254 : i32 to index
        %parallel_loop3A_286 = tpu.vector_load %arg10[%parallel_loop3A_285] {strides = array<i32>} : memref<8192xf32, #tpu.memory_space<vmem>>, vector<16xf32>,
        tpu.vector_store_idx %arg16[%parallel_loop3A_284], %parallel_loop3A_286 masked %parallel_loop3A_277 {add = true} : memref<49152xf32, #tpu.memory_space<vmem>>[vector<16xi32>], vector<16xf32>, vector<16xi1>
        %parallel_loop3A_287 = arith.constant 1 : i32
        %parallel_loop3A_288 = vector.broadcast %parallel_loop3A_287 : i32 to vector<16xi32>
        %parallel_loop3A_289 = arith.addi %parallel_loop3A_284, %parallel_loop3A_288 : vector<16xi32>
        %parallel_loop3A_290 = arith.index_cast %parallel_loop3A_254 : i32 to index
        %parallel_loop3A_291 = tpu.vector_load %arg11[%parallel_loop3A_290] {strides = array<i32>} : memref<8192xf32, #tpu.memory_space<vmem>>, vector<16xf32>,
        tpu.vector_store_idx %arg16[%parallel_loop3A_289], %parallel_loop3A_291 masked %parallel_loop3A_277 {add = true} : memref<49152xf32, #tpu.memory_space<vmem>>[vector<16xi32>], vector<16xf32>, vector<16xi1>
        %parallel_loop3A_292 = arith.constant 2 : i32
        %parallel_loop3A_293 = vector.broadcast %parallel_loop3A_292 : i32 to vector<16xi32>
        %parallel_loop3A_294 = arith.addi %parallel_loop3A_284, %parallel_loop3A_293 : vector<16xi32>
        %parallel_loop3A_295 = arith.index_cast %parallel_loop3A_254 : i32 to index
        %parallel_loop3A_296 = tpu.vector_load %arg12[%parallel_loop3A_295] {strides = array<i32>} : memref<8192xf32, #tpu.memory_space<vmem>>, vector<16xf32>,
        tpu.vector_store_idx %arg16[%parallel_loop3A_294], %parallel_loop3A_296 masked %parallel_loop3A_277 {add = true} : memref<49152xf32, #tpu.memory_space<vmem>>[vector<16xi32>], vector<16xf32>, vector<16xi1>
      } {sc.loop_unroll_factor = 4 : i64, sc.parallel_access}
      "tpu.region"() ({
        %run_scoped3A = tpu.sem_alloc : memref<!tpu.dma_semaphore, #tpu.memory_space<semaphore_mem>>
        %dma_start3A_252 = arith.constant 0 : i32
        %dma_start3A_253 = tpu.memref_slice %arg6[%add3A, %dma_start3A_252] : memref<16x49152xf32, #tpu.memory_space<hbm>> -> memref<1x49152xf32, #tpu.memory_space<hbm>>
        %dma_start3A_254 = tpu.memref_squeeze %dma_start3A_253 : memref<1x49152xf32, #tpu.memory_space<hbm>> -> memref<49152xf32, #tpu.memory_space<hbm>>
        %dma_start3A_255 = arith.constant 0 : i32
        %dma_start3A_256 = tpu.memref_slice %arg6[%add3A, %dma_start3A_255] : memref<16x49152xf32, #tpu.memory_space<hbm>> -> memref<1x49152xf32, #tpu.memory_space<hbm>>
        %dma_start3A_257 = tpu.memref_squeeze %dma_start3A_256 : memref<1x49152xf32, #tpu.memory_space<hbm>> -> memref<49152xf32, #tpu.memory_space<hbm>>
        tpu.enqueue_dma source(%arg16 : memref<49152xf32, #tpu.memory_space<vmem>>) target(%dma_start3A_257 : memref<49152xf32, #tpu.memory_space<hbm>>) target_semaphore(%run_scoped3A : memref<!tpu.dma_semaphore, #tpu.memory_space<semaphore_mem>>)
        %dma_wait3A_258 = arith.constant 0 : i32
        %dma_wait3A_259 = tpu.memref_slice %arg6[%add3A, %dma_wait3A_258] : memref<16x49152xf32, #tpu.memory_space<hbm>> -> memref<1x49152xf32, #tpu.memory_space<hbm>>
        %dma_wait3A_260 = tpu.memref_squeeze %dma_wait3A_259 : memref<1x49152xf32, #tpu.memory_space<hbm>> -> memref<49152xf32, #tpu.memory_space<hbm>>
        %dma_wait3A_261 = arith.constant 0 : i32
        %dma_wait3A_262 = tpu.memref_slice %arg6[%add3A, %dma_wait3A_261] : memref<16x49152xf32, #tpu.memory_space<hbm>> -> memref<1x49152xf32, #tpu.memory_space<hbm>>
        %dma_wait3A_263 = tpu.memref_squeeze %dma_wait3A_262 : memref<1x49152xf32, #tpu.memory_space<hbm>> -> memref<49152xf32, #tpu.memory_space<hbm>>
        tpu.wait_dma2 semaphore(%run_scoped3A : memref<!tpu.dma_semaphore, #tpu.memory_space<semaphore_mem>>) src(%arg16 : memref<49152xf32, #tpu.memory_space<vmem>>) dst(%dma_wait3A_263 : memref<49152xf32, #tpu.memory_space<hbm>>)
        tpu.yield
      }) : () -> ()
    } else {
    }
    return
  }
}

</mosaic_0001>

<sc_bundles>
// kernel: kernel.3.cloned.1.call-start
scs
__scs_entry_jumppad:
0x0: {  	(pc) =	sbr.rel $0x88, $3  }
0x1: {  	(tag) =	ssettag $0x0;
	lr =	simm.s32 $0x1  }
0x2: {  	[smem:$0x3F9E] =	sst lr;
	_ =	strace $0xD0000000  }
0x3: {  	_ = 	snop  }
0x4: {  	_ = 	snop  }
0x5: {  	_ = 	snop  }
0x6: {  	_ = 	snop  }
0x7: {  	_ = 	snop  }
__scs_overlays_trampoline_lowered:
0x8: {  	[smem:$0x3FAD] =	sst s0  }
0x9: {  	[smem:$0x3FAE] =	sst s1  }
0xa: {  	[smem:$0x3FAF] =	sst s2  }
0xb: {  	[smem:$0x3FB0] =	sst s3  }
0xc: {  	[smem:$0x3FB1] =	sst s4  }
0xd: {  	[smem:$0x3FB2] =	sst s5  }
0xe: {  	[smem:$0x3FB3] =	sst s6  }
0xf: {  	[smem:$0x3FB4] =	sst s7  }
0x10: {  	[smem:$0x3FB5] =	sst s8  }
0x11: {  	[smem:$0x3FB6] =	sst s9;
	s0 =	simm.s32 @!p0 $0x0  }
0x12: {  	s1 =	sld [smem:$0x3F9C];
	s0 =	simm.s32 @p0 $0x1  }
0x13: {  	[smem:$0x3FB7] =	sst s0;
	s0 =	simm.s32 @!p1 $0x0  }
0x14: {  	s2 =	sld [smem:$0x3F9B];
	s0 =	simm.s32 @p1 $0x1  }
0x15: {  	[smem:$0x3FB8] =	sst s0;
	s0 =	simm.s32 @!p2 $0x0  }
0x16: {  	s3 =	sld [smem:$0x3FDB];
	s0 =	simm.s32 @p2 $0x1  }
0x17: {  	s4 =	simm.s32 $0x1BF5;
	[smem:$0x3FBA] =	sst s0  }
0x18: {  	s0 =	sld [smem:$0x3F9D];
	_ =	swait.ge [sflag:s4], $0x0  }
0x19: {  	s7 =	sld [smem:$0x3F9E]  }
0x1a: {  	s8 =	sadd.s32 $0xFFFFE003, lr  }
0x1b: {  	s9 =	sadd.s32 $0xFFFFFEF7, lr;
	s5 =	simm.s32 $0xFFFFFFFF;
	p2 =	slt.u32 s8, $0xFFFFF086  }
0x1c: {  	p1 =	slt.u32 s9, $0xF7A;
	s5 =	simm.s32 @!p2 $0x0  }
0x1d: {  	s5 =	simm.s32 @p1 $0x1;
	p0 =	seq.s32 s7, s2  }
0x1e: {  	s7 =	smul.u32 @!p0 $0xF7A, s2;
	p2 =	seq.s32 @!p0 s5, $0x0  }
0x1f: {  	s9 =	smul.u32 $0xF7A, s1;
	s8 =	simm.s32 @!p0 $0x1BF5;
	p2 =	por !p2, p0  }
0x20: {  	[sflag:s8] =	ssyncset.s32 @!p0 $0xFFFFF086;
	s6 =	sadd.s32 @!p0 s3, s7;
	s7 =	simm.s32 @!p0 $0x108  }
0x21: {  	s3 =	sadd.s32 s3, s9;
	s6 =	sadd.s32 @!p0 $0x88, s6;
	s7 =	simm.s32 @p2 $0x1082  }
0x22: {  	[simem:s7], [sflag:s8] =	dma.local @!p0 [hbm:s6], $0xF7A  }
0x23: {  	s9 =	sor.u32 $0xD0000000, s2;
	s6 =	simm.s32 $0x108;
	_ =	swait.ge @!p0 [sflag:s8], $0x0  }
0x24: {  	s3 =	sadd.s32 $0x88, s3;
	s6 =	simm.s32 @!p1 $0x1082;
	[sflag:s4] =	ssyncset.s32 $0xFFFFF086  }
0x25: {  	[simem:s6], [sflag:s4] =	dma.local [hbm:s3], $0xF7A  }
0x26: {  	[smem:$0x3F9E] =	sst s1;
	(tag) =	ssettag s2;
	_ =	strace s9  }
0x27: {  	s1 =	sld [smem:$0x3FAE]  }
0x28: {  	s2 =	sld [smem:$0x3FAF]  }
0x29: {  	s4 =	sld [smem:$0x3FB1]  }
0x2a: {  	p0 =	seq.s32 s5, $0x0;
	s5 =	sld [smem:$0x3FB2]  }
0x2b: {  	s6 =	sld [smem:$0x3FB3]  }
0x2c: {  	s7 =	sld [smem:$0x3FB4]  }
0x2d: {  	s3 =	simm.s32 $0x108;
	s8 =	sld [smem:$0x3FB5]  }
0x2e: {  	s3 =	simm.s32 @!p0 $0x1082;
	s9 =	sld [smem:$0x3FB6]  }
0x2f: {  	lr =	sadd.s32 s0, s3;
	s0 =	sld [smem:$0x3FAD]  }
0x30: {  	s3 =	sld [smem:$0x3FB0]  }
0x31: {  	[smem:$0x3FB9] =	sst s10  }
0x32: {  	s10 =	sld [smem:$0x3FB7];
	_ =	sdelay $0x3  }
0x33: {  	p0 =	seq.s32 s10, $0x1;
	s10 =	sld [smem:$0x3FB9];
	_ =	sdelay $0x3  }
0x34: {  	[smem:$0x3FB9] =	sst s10  }
0x35: {  	s10 =	sld [smem:$0x3FB8];
	_ =	sdelay $0x3  }
0x36: {  	p1 =	seq.s32 s10, $0x1;
	s10 =	sld [smem:$0x3FB9];
	_ =	sdelay $0x3  }
0x37: {  	[smem:$0x3FB9] =	sst s10  }
0x38: {  	s10 =	sld [smem:$0x3FBA]  }
0x39: {  	_ = 	snop;
	(pc) =	sbr.ind lr, $3  }
0x3a: {  	_ = 	snop  }
0x3b: {  	_ = 	snop  }
0x3c: {  	p2 =	seq.s32 s10, $0x1;
	s10 =	sld [smem:$0x3FB9]  }
0x3d: {  	_ =	shalt  }
0x3e: {  	_ =	shalt  }
0x3f: {  	_ =	shalt  }
0x40: {  	_ =	shalt  }
0x41: {  	_ =	shalt  }
0x42: {  	_ =	shalt  }
0x43: {  	_ =	shalt  }
0x44: {  	_ =	shalt  }
0x45: {  	_ =	shalt  }
0x46: {  	_ =	shalt  }
0x47: {  	_ =	shalt  }
0x48: {  	_ =	shalt  }
0x49: {  	_ =	shalt  }
0x4a: {  	_ =	shalt  }
0x4b: {  	_ =	shalt  }
0x4c: {  	_ =	shalt  }
0x4d: {  	_ =	shalt  }
0x4e: {  	_ =	shalt  }
0x4f: {  	_ =	shalt  }
0x50: {  	_ =	shalt  }
0x51: {  	_ =	shalt  }
0x52: {  	_ =	shalt  }
0x53: {  	_ =	shalt  }
0x54: {  	_ =	shalt  }
0x55: {  	_ =	shalt  }
0x56: {  	_ =	shalt  }
0x57: {  	_ =	shalt  }
0x58: {  	_ =	shalt  }
0x59: {  	_ =	shalt  }
0x5a: {  	_ =	shalt  }
0x5b: {  	_ =	shalt  }
0x5c: {  	_ =	shalt  }
0x5d: {  	_ =	shalt  }
0x5e: {  	_ =	shalt  }
0x5f: {  	_ =	shalt  }
0x60: {  	_ =	shalt  }
0x61: {  	_ =	shalt  }
0x62: {  	_ =	shalt  }
0x63: {  	_ =	shalt  }
0x64: {  	_ =	shalt  }
0x65: {  	_ =	shalt  }
0x66: {  	_ =	shalt  }
0x67: {  	_ =	shalt  }
0x68: {  	_ =	shalt  }
0x69: {  	_ =	shalt  }
0x6a: {  	_ =	shalt  }
0x6b: {  	_ =	shalt  }
0x6c: {  	_ =	shalt  }
0x6d: {  	_ =	shalt  }
0x6e: {  	_ =	shalt  }
0x6f: {  	_ =	shalt  }
0x70: {  	_ =	shalt  }
0x71: {  	_ =	shalt  }
0x72: {  	_ =	shalt  }
0x73: {  	_ =	shalt  }
0x74: {  	_ =	shalt  }
0x75: {  	_ =	shalt  }
0x76: {  	_ =	shalt  }
0x77: {  	_ =	shalt  }
0x78: {  	_ =	shalt  }
0x79: {  	_ =	shalt  }
0x7a: {  	_ =	shalt  }
0x7b: {  	_ =	shalt  }
0x7c: {  	_ =	shalt  }
0x7d: {  	_ =	shalt  }
0x7e: {  	_ =	shalt  }
0x7f: {  	_ =	shalt  }
0x80: {  	_ =	shalt  }
0x81: {  	_ =	shalt  }
0x82: {  	_ =	shalt  }
0x83: {  	_ =	shalt  }
0x84: {  	_ =	shalt  }
0x85: {  	_ =	shalt  }
0x86: {  	_ =	shalt  }
0x87: {  	_ =	shalt  }
.Lfunc_end0:
.L_simem_size_0:
called_computation_lowered:
.L_overlay_start_0:
0x88: {  	s2 =	sld [smem:$0x3FD9]  }
0x89: {  	s3 =	sld [smem:$0x3FFE];
	_ =	sdelay $0x1  }
0x8a: {  	s1 =	srdreg.scid  }
0x8b: {  	s0 =	sand.u32 $0x1, s1  }
0x8c: {  	s17 =	sshll.u32 s0, $0xA;
	s2 =	sadd.s32 s3, s2  }
0x8d: {  	s2 =	sadd.s32 s2, s17  }
0x8e: {  	[smem:$0x3FC5] =	sst s2  }
0x8f: {  	_ = 	snop  }
0x90: {  	s2 =	sld [smem:$0x3FD0];
	(tm) =	ssettm $0x1  }
0x91: {  	s18 =	sld [smem:$0x3FFB];
	_ =	sdelay $0x3  }
0x92: {  	_ =	strace s18  }
0x93: {  	s3 =	sld [smem:$0x3FFC];
	_ =	sdelay $0x3  }
0x94: {  	_ =	strace s3  }
0x95: {  	s3 =	sld [smem:$0x3FFD];
	_ =	sdelay $0x3  }
0x96: {  	_ =	strace s3  }
0x97: {  	_ =	strace $0x8FFFFFFF  }
0x98: {  	s19 =	sld [smem:$0x3FDB];
	_ =	sdelay $0x1  }
0x99: {  	s4 =	simm.s32 $_scs_section_size  }
0x9a: {  	s5 =	simm.s32 $_size__tile_overlayer_lowered;
	s6 =	simm.s32 $_tile_overlayer_lowered  }
0x9b: {  	s22 =	simm.s32 $0x1BFF;
	s21 =	sshll.u32 s6, $0x1;
	s3 =	sadd.s32 s4, s19  }
0x9c: {  	s7 =	simm.s32 $0x0;
	s20 =	sshll.u32 s5, $0x1;
	s5 =	sadd.s32 s21, s3  }
0x9d: {  	[timem:s7], [sflag:s22] =	dma.local [hbm:s5], s20  }
0x9e: {  	_ =	swait.ge [sflag:s22], s20  }
0x9f: {  	s4 =	ssub.s32 $0x0, s20;
	[sflag:s22] =	ssyncset.done $0x0  }
0xa0: {  	[sflag:s22] =	ssyncadd.s32 s4;
	_ =	sdelay $0x1  }
0xa1: {  	s23 =	simm.s32 $0x1B8B  }
0xa2: {  	_ =	swait.ge [sflag:s23], $0x1  }
0xa3: {  	[sflag:s23] =	ssyncset.done $0x0  }
0xa4: {  	s25 =	simm.s32 $0x1B8E;
	s24 =	sld [smem:$0x3FFE];
	[sflag:s23] =	ssyncadd.s32 $0xFFFFFFFF  }
0xa5: {  	s26 =	simm.s32 $execute0_lowered;
	[smem:$0x3FD2] =	sst s25  }
0xa6: {  	s5 =	sshll.u32 s26, $0x1;
	_ =	strace $0x80000046;
	[dreg:$0x1] =	wrdreg $0xFFFFFFFF  }
0xa7: {  	s28 =	simm.s32 $_size_execute0_lowered;
	s3 =	sadd.s32 s3, s5;
	[dreg:$0x0] =	wrdreg $0x0  }
0xa8: {  	s5 =	sshll.u32 s28, $0x1;
	[dreg:$0x2] =	wrdreg s3  }
0xa9: {  	[dreg:$0x3] =	wrdreg s5  }
0xaa: {  	[dreg:$0x4] =	wrdreg $0xC0  }
0xab: {  	_ =	task [dreg:s7], $0x5FFFF  }
0xac: {  	[dreg:$0x1] =	wrdreg $0xFFFFFFFF  }
0xad: {  	[dreg:$0x0] =	wrdreg $0x60  }
0xae: {  	[dreg:$0x2] =	wrdreg s24  }
0xaf: {  	[dreg:$0x3] =	wrdreg s2  }
0xb0: {  	[dreg:$0x4] =	wrdreg $0x9  }
0xb1: {  	_ =	task.clear_ibuf [dreg:s7], $0x5FFFF;
	_ =	strace $0x90000046  }
0xb2: {  	s29 =	simm.s32 $0x9;
	_ =	strace $0x80000048  }
0xb3: {  	_ =	swait.ge [sflag:s29], $0x1  }
0xb4: {  	[sflag:s29] =	ssyncadd.s32 $0xFFFFFFFF  }
0xb5: {  	_ =	strace $0x90000048  }
0xb6: {  	_ =	sfence  }
0xb7: {  	s30 =	sld [smem:$0x0];
	_ =	sdelay $0x2  }
0xb8: {  	s31 =	sshll.u32 s1, $0xD;
	s1 =	sshrl.u32 s1, $0x2  }
0xb9: {  	s3 =	sand.u32 $0x4000, s31;
	s1 =	sadd.s32 s1, s30  }
0xba: {  	s0 =	sor.u32 s3, s0;
	s1 =	sshll.u32 s1, $0x11  }
0xbb: {  	s0 =	sor.u32 s1, s0  }
0xbc: {  	s0 =	sadd.s32 $0x8F2B, s0  }
0xbd: {  	[sflag:s0] =	ssyncadd.remote.s32 $0x1  }
0xbe: {  	_ =	sfence.sel $0xFFFF  }
0xbf: {  	[dreg:$0x0] =	wrdreg $0xFFFFFFFF;
	(pc) =	sbr.abs _section_cstart, $3  }
0xc0: {  	[dreg:$0x1] =	wrdreg $0xFFFFFFFF  }
0xc1: {  	_ =	task.clear_ibuf [dreg:s7], $0x2FFFF;
	_ =	strace $0x9FFFFFFF  }
0xc2: {  	(tm) =	ssettm $0x7FFFFFFF  }
0xc3: {  	_ =	shalt  }
tec
execute0_lowered:
.L_overlay_start_1:
0x0: {  	(tag) =	ssettag $0x1  }
0x1: {  	s3 =	rddreg [dreg:$0x0];
	s1 =	simm.s32 $0x0  }
0x2: {  	[smem:$0x7FF] =	sst s1  }
0x3: {  	s0 =	rddreg [dreg:$0x1];
	v0 =	vimm.f32 $3.000000000e+00;
	_ =	strace $0x80000047  }
0x4: {  	(erf) = vrcp.f32 v0;
	_ =	sdelay $0x2  }
0x5: {  	s2 =	stileid.u32  }
0x6: {  	p0 =	sgt.u32 s2, $0x7  }
.Ltmp0:
0x7: {  	_ = 	snop;
	(pc) =	sbr.rel @p0 .LBB2_7-.Ltmp0, $2  }
0x8: {  	_ =	sdelay $0x2  }
0x9: {  	v0 =	vpop (erf)  }
0xa: {  	s4 =	srdreg.scid  }
0xb: {  	s5 =	sshll.u32 s2, $0x1;
	s7 =	sshrl.u32 s2, $0x2;
	s10 =	sadd.s32 $0x600, s3  }
0xc: {  	s9 =	sadd.s32 $0xC600, s3;
	s12 =	sadd.s32 $0x18600, s3;
	s3 =	sadd.s32 $0x18800, s3  }
0xd: {  	s17 =	simm.s32 $0x2000;
	s18 =	simm.s32 $0x4000;
	s4 =	sand.u32 $0x1, s4  }
0xe: {  	s19 =	simm.s32 $0x6000;
	s8 =	smul.u32 $0x60000, s7;
	s5 =	sor.u32 s4, s5  }
0xf: {  	s20 =	simm.s32 $0x8000;
	s21 =	simm.s32 $0xA000;
	s23 =	smul.u32 $0x3, s5  }
0x10: {  	s22 =	simm.s32 $0x2;
	s6 =	sshll.u32 s5, $0x7;
	s14 =	smul.u32 $0x6000, s5  }
0x11: {  	s13 =	ssub.s32 $0x2, s4;
	s5 =	smul.u32 $0x180, s5;
	s11 =	sand.u32 $0x380, s6  }
0x12: {  	s16 =	sshll.u32 s7, $0xA;
	s24 =	sshrl.u32 s13, $0x1;
	s6 =	sor.u32 s8, s11  }
0x13: {  	s25 =	sadd.s32 $0x2, s23;
	s8 =	sadd.s32 $0x1, s23;
	s30 =	sor.u32 s5, s14  }
0x14: {  	s11 =	sor.u32 s16, s11;
	s14 =	simm.s32 $0xC000;
	s16 =	simm.s32 $0x400  }
0x15: {  	s23 =	simm.s32 $0x1;
	s6 =	sshrl.u32 s6, $0x3;
	s26 =	sshll.u32 s25, $0xA  }
0x16: {  	s28 =	sshll.u32 s8, $0xA;
	s8 =	sshll.u32 s8, $0x4;
	s11 =	sshrl.u32 s11, $0x3  }
0x17: {  	s4 =	sadd.s32 s0, s6;
	s0 =	ssub.s32 s13, s24;
	s6 =	sshll.u32 s25, $0x4  }
0x18: {  	s29 =	sor.u32 s8, s28;
	s8 =	sand.u32 $0x70380, s30;
	s11 =	sadd.s32 s12, s11  }
0x19: {  	s24 =	simm.s32 $0x3;
	s25 =	simm.s32 $0x0;
	s6 =	sor.u32 s6, s26  }
0x1a: {  	s13 =	sand.u32 $0x3E070, s29;
	s31 =	sshrl.u32 s8, $0x3;
	s12 =	smax.u32 s0, $0x1  }
0x1b: {  	s15 =	sand.u32 $0x3E070, s6;
	s6 =	sadd.s32 s9, s13;
	s7 =	sadd.s32 s9, s31  }
0x1c: {  	s5 =	sadd.s32 s9, s15;
	s8 =	sadd.s32 s10, s15;
	s9 =	sadd.s32 s10, s13  }
0x1d: {  	v1 =	vimm.f32 $0.0e+00;
	s10 =	sadd.s32 s10, s31;
	s13 =	simm.s32 $0x10080;
	s15 =	simm.s32 $0x80  }
.LBB2_2:
0x1e: {  	[tilespmem:s13], [sflag:$0x1] =	stream.linear.gather [hbm4b:s3+s1], $0xC000, $0x38;
	[tilespmem:$0x1C080] =	vst v63  }
0x1f: {  	_ = 	snop  }
0x20: {  	[tilespmem:s14], [sflag:$0x2] =	stream.linear.gather [hbm4b:s11+s1], $0x80, $0x38;
	[tilespmem:$0x1C080] =	vst v63  }
0x21: {  	_ = 	snop  }
0x22: {  	[tilespmem:s1], [sflag:$0x2] =	stream.strided.gather [hbm4b:s10+s15], $0x2000, s16, s15, $0x38;
	[tilespmem:$0x1C080] =	vst v63  }
0x23: {  	_ = 	snop  }
0x24: {  	[tilespmem:s17], [sflag:$0x2] =	stream.strided.gather [hbm4b:s9+s15], $0x2000, s16, s15, $0x38;
	[tilespmem:$0x1C080] =	vst v63  }
0x25: {  	_ = 	snop  }
0x26: {  	[tilespmem:s18], [sflag:$0x2] =	stream.strided.gather [hbm4b:s8+s15], $0x2000, s16, s15, $0x38;
	[tilespmem:$0x1C080] =	vst v63  }
0x27: {  	_ = 	snop  }
0x28: {  	[tilespmem:s19], [sflag:$0x2] =	stream.strided.gather [hbm4b:s7+s15], $0x2000, s16, s15, $0x38;
	[tilespmem:$0x1C080] =	vst v63  }
0x29: {  	_ = 	snop  }
0x2a: {  	[tilespmem:s20], [sflag:$0x2] =	stream.strided.gather [hbm4b:s6+s15], $0x2000, s16, s15, $0x38;
	[tilespmem:$0x1C080] =	vst v63  }
0x2b: {  	_ = 	snop  }
0x2c: {  	[tilespmem:s21], [sflag:$0x2] =	stream.strided.gather [hbm4b:s5+s15], $0x2000, s16, s15, $0x38;
	[tilespmem:$0x1C080] =	vst v63  }
0x2d: {  	_ =	swait.ge [sflag:s22], $0x80  }
0x2e: {  	[sflag:s22] =	ssyncset.done $0x0  }
0x2f: {  	[sflag:s22] =	ssyncadd.s32 $0xFFFFFF80  }
0x30: {  	_ =	swait.ge [sflag:s22], $0x2000  }
0x31: {  	[sflag:s22] =	ssyncset.done $0x0  }
0x32: {  	[sflag:s22] =	ssyncadd.s32 $0xFFFFE000  }
0x33: {  	_ =	swait.ge [sflag:s22], $0x2000  }
0x34: {  	[sflag:s22] =	ssyncset.done $0x0  }
0x35: {  	[sflag:s22] =	ssyncadd.s32 $0xFFFFE000  }
0x36: {  	_ =	swait.ge [sflag:s22], $0x2000  }
0x37: {  	[sflag:s22] =	ssyncset.done $0x0  }
0x38: {  	[sflag:s22] =	ssyncadd.s32 $0xFFFFE000  }
0x39: {  	_ =	swait.ge [sflag:s22], $0x2000  }
0x3a: {  	[sflag:s22] =	ssyncset.done $0x0  }
0x3b: {  	[sflag:s22] =	ssyncadd.s32 $0xFFFFE000  }
0x3c: {  	_ =	swait.ge [sflag:s22], $0x2000  }
0x3d: {  	[sflag:s22] =	ssyncset.done $0x0  }
0x3e: {  	[sflag:s22] =	ssyncadd.s32 $0xFFFFE000  }
0x3f: {  	_ =	swait.ge [sflag:s22], $0x2000  }
0x40: {  	[sflag:s22] =	ssyncset.done $0x0  }
0x41: {  	[sflag:s22] =	ssyncadd.s32 $0xFFFFE000  }
0x42: {  	s0 =	simm.s32 $0x4020;
	v2 =	vld [tilespmem:$0xC000]  }
0x43: {  	v11 =	vld [tilespmem:s0+$0x10]  }
0x44: {  	v12 =	vld [tilespmem:s0+$0x0]  }
0x45: {  	s26 =	simm.s32 $0x20;
	v13 =	vld [tilespmem:s0+$0xFFFFFFF0]  }
0x46: {  	s28 =	simm.s32 $0x2020;
	v14 =	vld [tilespmem:s26+$0x10]  }
0x47: {  	v15 =	vld [tilespmem:s28+$0x10]  }
0x48: {  	v16 =	vld [tilespmem:s0+$0xFFFFFFE0]  }
0x49: {  	v17 =	vld [tilespmem:s26+$0x0]  }
0x4a: {  	v18 =	vld [tilespmem:s28+$0x0]  }
0x4b: {  	v19 =	vld [tilespmem:s26+$0xFFFFFFF0]  }
0x4c: {  	v20 =	vld [tilespmem:s28+$0xFFFFFFF0]  }
0x4d: {  	v21 =	vld [tilespmem:s26+$0xFFFFFFE0]  }
0x4e: {  	v22 =	vld [tilespmem:s28+$0xFFFFFFE0]  }
0x4f: {  	v3 =	vshrl.u32 v2, $0x10;
	v23 =	vshrl.u32 v13, $0x10  }
0x50: {  	v24 =	vshrl.u32 v12, $0x10;
	v25 =	vshrl.u32 v11, $0x10;
	v26 =	vshrl.u32 v16, $0x10  }
0x51: {  	v27 =	vshrl.u32 v14, $0x10;
	v28 =	vshrl.u32 v15, $0x10;
	v29 =	vshrl.u32 v19, $0x10  }
0x52: {  	v30 =	vshrl.u32 v17, $0x10;
	v31 =	vshrl.u32 v18, $0x10;
	v32 =	vshrl.u32 v21, $0x10  }
0x53: {  	v33 =	vshrl.u32 v22, $0x10;
	v34 =	vshrl.u32 v20, $0x10;
	v3 =	vand.u32 $0x1, v3  }
0x54: {  	v23 =	vand.u32 $0x1, v23;
	v24 =	vand.u32 $0x1, v24;
	v25 =	vand.u32 $0x1, v25  }
0x55: {  	v26 =	vand.u32 $0x1, v26;
	v27 =	vand.u32 $0x1, v27;
	v28 =	vand.u32 $0x1, v28  }
0x56: {  	v29 =	vand.u32 $0x1, v29;
	v30 =	vand.u32 $0x1, v30;
	v31 =	vand.u32 $0x1, v31  }
0x57: {  	v32 =	vand.u32 $0x1, v32;
	v33 =	vand.u32 $0x1, v33;
	v34 =	vand.u32 $0x1, v34  }
0x58: {  	v2 =	vadd.s32 v3, v2;
	v13 =	vadd.s32 v23, v13;
	v12 =	vadd.s32 v24, v12  }
0x59: {  	v11 =	vadd.s32 v25, v11;
	v16 =	vadd.s32 v26, v16;
	v14 =	vadd.s32 v27, v14  }
0x5a: {  	v15 =	vadd.s32 v28, v15;
	v19 =	vadd.s32 v29, v19;
	v17 =	vadd.s32 v30, v17  }
0x5b: {  	v18 =	vadd.s32 v31, v18;
	v21 =	vadd.s32 v32, v21;
	v22 =	vadd.s32 v33, v22  }
0x5c: {  	v20 =	vadd.s32 v34, v20;
	v2 =	vadd.s32 $0x7FFF, v2;
	v13 =	vadd.s32 $0x7FFF, v13  }
0x5d: {  	v12 =	vadd.s32 $0x7FFF, v12;
	v11 =	vadd.s32 $0x7FFF, v11;
	v16 =	vadd.s32 $0x7FFF, v16  }
0x5e: {  	v14 =	vadd.s32 $0x7FFF, v14;
	v15 =	vadd.s32 $0x7FFF, v15;
	v10 =	vand.u32 $0xFFFF0000, v2  }
0x5f: {  	v19 =	vadd.s32 $0x7FFF, v19;
	v17 =	vadd.s32 $0x7FFF, v17;
	v2 =	vbroadcast v10, $0x0  }
0x60: {  	v18 =	vadd.s32 $0x7FFF, v18;
	v3 =	vbroadcast v10, $0x1;
	v4 =	vbroadcast v10, $0x2  }
0x61: {  	v21 =	vadd.s32 $0x7FFF, v21;
	v5 =	vbroadcast v10, $0x3;
	v6 =	vbroadcast v10, $0x4  }
0x62: {  	v20 =	vadd.s32 $0x7FFF, v20;
	v7 =	vbroadcast v10, $0x5;
	v8 =	vbroadcast v10, $0x6  }
0x63: {  	v11 =	vand.u32 $0xFFFF0000, v11;
	v9 =	vbroadcast v10, $0x7;
	v10 =	vbroadcast v10, $0x8  }
0x64: {  	v12 =	vand.u32 $0xFFFF0000, v12;
	v23 =	vmul.f32 v11, v4;
	v24 =	vmul.f32 v11, v7  }
0x65: {  	v14 =	vand.u32 $0xFFFF0000, v14;
	v25 =	vmul.f32 v12, v4;
	v11 =	vmul.f32 v11, v10  }
0x66: {  	v15 =	vand.u32 $0xFFFF0000, v15;
	v26 =	vmul.f32 v12, v7;
	v12 =	vmul.f32 v12, v10  }
0x67: {  	v22 =	vadd.s32 $0x7FFF, v22;
	v27 =	vmul.f32 v14, v2;
	v28 =	vmul.f32 v15, v3  }
0x68: {  	v17 =	vand.u32 $0xFFFF0000, v17;
	v29 =	vmul.f32 v14, v5;
	v30 =	vmul.f32 v15, v6  }
0x69: {  	v18 =	vand.u32 $0xFFFF0000, v18;
	v14 =	vmul.f32 v14, v8;
	v15 =	vmul.f32 v15, v9  }
0x6a: {  	v13 =	vand.u32 $0xFFFF0000, v13;
	v31 =	vmul.f32 v17, v2;
	v47 =	vmul.f32 v18, v3  }
0x6b: {  	v19 =	vand.u32 $0xFFFF0000, v19;
	v48 =	vmul.f32 v17, v5;
	v49 =	vmul.f32 v18, v6  }
0x6c: {  	v20 =	vand.u32 $0xFFFF0000, v20;
	v17 =	vmul.f32 v17, v8;
	v18 =	vmul.f32 v18, v9  }
0x6d: {  	v16 =	vand.u32 $0xFFFF0000, v16;
	v35 =	vmul.f32 v19, v2;
	v36 =	vmul.f32 v20, v3  }
0x6e: {  	v21 =	vand.u32 $0xFFFF0000, v21;
	v37 =	vmul.f32 v19, v5;
	v38 =	vmul.f32 v20, v6  }
0x6f: {  	v22 =	vand.u32 $0xFFFF0000, v22;
	v19 =	vmul.f32 v19, v8;
	v20 =	vmul.f32 v20, v9  }
0x70: {  	v39 =	vmul.f32 v21, v2;
	v40 =	vmul.f32 v22, v3;
	v27 =	vadd.f32 v28, v27  }
0x71: {  	v28 =	vmul.f32 v21, v5;
	v29 =	vadd.f32 v30, v29;
	v14 =	vadd.f32 v15, v14  }
0x72: {  	v15 =	vmul.f32 v22, v6;
	v30 =	vadd.f32 v47, v31;
	v31 =	vadd.f32 v49, v48  }
0x73: {  	v21 =	vmul.f32 v21, v8;
	v50 =	vadd.f32 v36, v35;
	v17 =	vadd.f32 v18, v17  }
0x74: {  	v18 =	vmul.f32 v22, v9;
	v22 =	vadd.f32 v38, v37;
	v19 =	vadd.f32 v20, v19  }
0x75: {  	v20 =	vadd.f32 v40, v39;
	v15 =	vadd.f32 v15, v28;
	v28 =	vmul.f32 v13, v4  }
0x76: {  	v18 =	vadd.f32 v18, v21;
	v21 =	vmul.f32 v13, v7;
	v23 =	vadd.f32 v23, v27  }
0x77: {  	v13 =	vmul.f32 v13, v10;
	v24 =	vadd.f32 v24, v29;
	v14 =	vadd.f32 v11, v14  }
0x78: {  	v11 =	vmul.f32 v16, v4;
	v25 =	vadd.f32 v25, v30;
	v26 =	vadd.f32 v26, v31  }
0x79: {  	v27 =	vmul.f32 v16, v7;
	v29 =	vadd.f32 v12, v17;
	v28 =	vadd.f32 v28, v50  }
0x7a: {  	v12 =	vmul.f32 v16, v10;
	v21 =	vadd.f32 v21, v22;
	v22 =	vadd.f32 v13, v19  }
0x7b: {  	v20 =	vadd.f32 v11, v20;
	v11 =	vmul.f32 v23, v0;
	v13 =	vmul.f32 v24, v0  }
0x7c: {  	v27 =	vadd.f32 v27, v15;
	v15 =	vmul.f32 v25, v0;
	v16 =	vmul.f32 v14, v0  }
0x7d: {  	v30 =	vadd.f32 v12, v18;
	v12 =	vmul.f32 v26, v0;
	v17 =	vmul.f32 v29, v0  }
0x7e: {  	v18 =	vmul.f32 v28, v0;
	v19 =	vmul.f32 v21, v0  }
0x7f: {  	v11 =	vadd.f32 $1.258291200e+07, v11;
	v31 =	vmul.f32 v22, v0;
	v51 =	vadd.f32 $1.258291200e+07, v13  }
0x80: {  	v16 =	vadd.f32 $1.258291200e+07, v16;
	v13 =	vmul.f32 v20, v0;
	v52 =	vadd.f32 $1.258291200e+07, v15  }
0x81: {  	v12 =	vadd.f32 $1.258291200e+07, v12;
	v15 =	vmul.f32 v27, v0;
	v54 =	vadd.f32 $1.258291200e+07, v17  }
0x82: {  	v17 =	vmul.f32 v30, v0;
	v53 =	vadd.f32 $1.258291200e+07, v18;
	v19 =	vadd.f32 $1.258291200e+07, v19  }
0x83: {  	v31 =	vadd.f32 $1.258291200e+07, v31;
	v55 =	vadd.f32 $1.258291200e+07, v13  }
0x84: {  	v56 =	vadd.f32 $1.258291200e+07, v15;
	v57 =	vadd.f32 $1.258291200e+07, v17  }
0x85: {  	v13 =	vadd.f32 $-1.258291200e+07, v11;
	v15 =	vadd.f32 $-1.258291200e+07, v51  }
0x86: {  	v58 =	vadd.f32 $-1.258291200e+07, v16;
	v18 =	vadd.f32 $-1.258291200e+07, v52  }
0x87: {  	v16 =	vadd.f32 $-1.258291200e+07, v12;
	v59 =	vadd.f32 $-1.258291200e+07, v54  }
0x88: {  	v17 =	vadd.f32 $-1.258291200e+07, v53;
	v12 =	vadd.f32 $-1.258291200e+07, v19  }
0x89: {  	v31 =	vadd.f32 $-1.258291200e+07, v31;
	v19 =	vadd.f32 $-1.258291200e+07, v55  }
0x8a: {  	v11 =	vadd.f32 $-1.258291200e+07, v56;
	v60 =	vadd.f32 $-1.258291200e+07, v57  }
0x8b: {  	v61 =	vadd.f32 v15, v13;
	v63 =	vmul.f32 $3.000000000e+00, v13;
	v48 =	vmul.f32 $3.000000000e+00, v15  }
0x8c: {  	v62 =	vadd.f32 v16, v18;
	v50 =	vmul.f32 $3.000000000e+00, v18;
	v41 =	vmul.f32 $3.000000000e+00, v58  }
0x8d: {  	v43 =	vmul.f32 $3.000000000e+00, v16;
	v49 =	vadd.f32 v12, v17;
	v42 =	vadd.f32 v11, v19  }
0x8e: {  	v44 =	vmul.f32 $3.000000000e+00, v59;
	v33 =	vadd.f32 v62, v59;
	v32 =	vadd.f32 v61, v58  }
0x8f: {  	v45 =	vmul.f32 $3.000000000e+00, v17;
	v23 =	vsub.f32 v23, v63;
	v24 =	vsub.f32 v24, v48  }
0x90: {  	v52 =	vmul.f32 $3.000000000e+00, v12;
	v25 =	vsub.f32 v25, v50;
	v14 =	vsub.f32 v14, v41  }
0x91: {  	v53 =	vmul.f32 $3.000000000e+00, v19;
	v26 =	vsub.f32 v26, v43;
	v29 =	vsub.f32 v29, v44  }
0x92: {  	v54 =	vmul.f32 $3.000000000e+00, v11;
	v51 =	vadd.f32 v42, v60;
	v39 =	vadd.f32 v49, v31  }
0x93: {  	v34 =	vmul.f32 $3.000000000e+00, v60;
	v28 =	vsub.f32 v28, v45;
	v21 =	vsub.f32 v21, v52  }
0x94: {  	v31 =	vmul.f32 $3.000000000e+00, v31;
	v20 =	vsub.f32 v20, v53;
	v27 =	vsub.f32 v27, v54  }
0x95: {  	v30 =	vsub.f32 v30, v34;
	vm0 =	vgt.f32 v24, v23;
	vm1 =	vgt.f32 v14, v23  }
0x96: {  	vm2 =	vge.f32 v23, v24;
	vm3 =	vgt.f32 v26, v25;
	vm4 =	vgt.f32 v29, v25  }
0x97: {  	vm5 =	vgt.f32 v14, v24;
	vm7 =	vge.f32 v25, v26;
	vm8 =	vgt.f32 v29, v26  }
0x98: {  	v14 =	vsel vm0, $0x3F800000, v1;
	v23 =	vsel vm5, $0x3F800000, v1;
	v24 =	vsel vm4, $0x3F800000, v1  }
0x99: {  	v25 =	vsel vm7, $0x3F800000, v1;
	v26 =	vsel vm8, $0x3F800000, v1;
	v22 =	vsub.f32 v22, v31  }
0x9a: {  	vm6 =	vgt.f32 v21, v28;
	vm10 =	vge.f32 v28, v21;
	vm12 =	vgt.f32 v27, v20  }
0x9b: {  	vm13 =	vgt.f32 v30, v20;
	vm14 =	vge.f32 v20, v27;
	vm15 =	vgt.f32 v30, v27  }
0x9c: {  	v20 =	vsel vm1, $0x3F800000, v1;
	v25 =	vadd.f32 v26, v25;
	v27 =	vsel vm6, $0x3F800000, v1  }
0x9d: {  	v29 =	vsel vm10, $0x3F800000, v1;
	v30 =	vsel vm12, $0x3F800000, v1;
	v14 =	vadd.f32 v20, v14  }
0x9e: {  	v20 =	vsel vm13, $0x3F800000, v1;
	v26 =	vsel vm15, $0x3F800000, v1;
	vm9 =	vgt.f32 v22, v28  }
0x9f: {  	vm11 =	vgt.f32 v22, v21;
	v21 =	vsel vm3, $0x3F800000, v1;
	v22 =	vsel vm2, $0x3F800000, v1  }
0xa0: {  	v20 =	vadd.f32 v20, v30;
	v25 =	vadd.f32 v25, v33;
	v28 =	vsel vm9, $0x3F800000, v1  }
0xa1: {  	v31 =	vsel vm11, $0x3F800000, v1;
	v21 =	vadd.f32 v24, v21;
	v22 =	vadd.f32 v23, v22  }
0xa2: {  	v23 =	vsel vm14, $0x3F800000, v1;
	v24 =	vadd.f32 v28, v27;
	v27 =	vadd.f32 v31, v29  }
0xa3: {  	v45 =	vimm.f32 $1.000000000e+09;
	v23 =	vadd.f32 v26, v23;
	v26 =	vadd.f32 v14, v32  }
0xa4: {  	v20 =	vadd.f32 v20, v51;
	vm6 =	vlt.f32 v25, $0.0e+00;
	vm7 =	vge.f32 v25, $3.000000000e+00  }
0xa5: {  	v21 =	vadd.f32 v21, v33;
	v22 =	vadd.f32 v22, v32;
	v56 =	vsel vm6, $0x3F800000, v1  }
0xa6: {  	v59 =	vsel vm7, $0x3F800000, v1;
	v24 =	vadd.f32 v24, v39;
	v27 =	vadd.f32 v27, v39  }
0xa7: {  	v23 =	vadd.f32 v23, v51;
	vm0 =	vlt.f32 v26, $0.0e+00;
	vm1 =	vge.f32 v26, $3.000000000e+00  }
0xa8: {  	vm11 =	vlt.f32 v20, $0.0e+00;
	vm12 =	vge.f32 v20, $3.000000000e+00;
	vm2 =	vlt.f32 v21, $0.0e+00  }
0xa9: {  	vm3 =	vlt.f32 v22, $0.0e+00;
	vm4 =	vge.f32 v22, $3.000000000e+00;
	vm5 =	vge.f32 v21, $3.000000000e+00  }
0xaa: {  	v14 =	vsel vm0, $0x3F800000, v1;
	v28 =	vsel vm1, $0x3F800000, v1;
	v60 =	vsel vm11, $0x3F800000, v1  }
0xab: {  	v63 =	vsel vm12, $0x3F800000, v1;
	vm8 =	vlt.f32 v24, $0.0e+00;
	vm9 =	vge.f32 v24, $3.000000000e+00  }
0xac: {  	vm10 =	vlt.f32 v27, $0.0e+00;
	vm13 =	vge.f32 v27, $3.000000000e+00;
	vm14 =	vlt.f32 v23, $0.0e+00  }
0xad: {  	vm15 =	vge.f32 v23, $3.000000000e+00;
	v29 =	vsel vm3, $0x3F800000, v1;
	v30 =	vsel vm4, $0x3F800000, v1  }
0xae: {  	v31 =	vsel vm2, $0x3F800000, v1;
	v55 =	vsel vm5, $0x3F800000, v1;
	v28 =	vsub.f32 v14, v28  }
0xaf: {  	v44 =	vsub.f32 v60, v63;
	v57 =	vsel vm8, $0x3F800000, v1;
	v58 =	vsel vm9, $0x3F800000, v1  }
0xb0: {  	v61 =	vsel vm10, $0x3F800000, v1;
	v62 =	vsel vm13, $0x3F800000, v1;
	v29 =	vsub.f32 v29, v30  }
0xb1: {  	v14 =	vsel vm14, $0x3F800000, v1;
	v30 =	vsub.f32 v31, v55;
	v31 =	vsub.f32 v56, v59  }
0xb2: {  	v41 =	vsel vm15, $0x3F800000, v1;
	v42 =	vsub.f32 v57, v58;
	v43 =	vsub.f32 v61, v62  }
0xb3: {  	v32 =	vsub.f32 v14, v41;
	v14 =	vadd.f32 v28, v13;
	v28 =	vmul.f32 $3.000000000e+00, v28  }
0xb4: {  	v47 =	vmul.f32 $3.000000000e+00, v44;
	v19 =	vadd.f32 v44, v19;
	v13 =	vadd.f32 v29, v15  }
0xb5: {  	v15 =	vadd.f32 v30, v18;
	v30 =	vmul.f32 $3.000000000e+00, v30;
	v29 =	vmul.f32 $3.000000000e+00, v29  }
0xb6: {  	v16 =	vadd.f32 v31, v16;
	v31 =	vmul.f32 $3.000000000e+00, v31;
	v46 =	vmul.f32 $3.000000000e+00, v42  }
0xb7: {  	v17 =	vadd.f32 v42, v17;
	v48 =	vmul.f32 $3.000000000e+00, v43;
	v49 =	vmul.f32 $3.000000000e+00, v32  }
0xb8: {  	s28 =	simm.s32 $0x2060;
	v18 =	vadd.f32 v43, v12;
	v12 =	vmul.f32 $3.000000000e+00, v14;
	v11 =	vadd.f32 v32, v11  }
0xb9: {  	s26 =	simm.s32 $0x60;
	v60 =	vld [tilespmem:s28+$0x0];
	v26 =	vadd.f32 v28, v26;
	v14 =	vtrunc.f32 v14;
	v50 =	vmul.f32 $3.000000000e+00, v15  }
0xba: {  	v59 =	vld [tilespmem:s26+$0x0];
	v20 =	vadd.f32 v47, v20;
	v51 =	vmul.f32 $3.000000000e+00, v13;
	v53 =	vmul.f32 $3.000000000e+00, v16  }
0xbb: {  	v22 =	vadd.f32 v29, v22;
	v21 =	vadd.f32 v30, v21;
	v29 =	vmul.f32 $3.000000000e+00, v19  }
0xbc: {  	v57 =	vld [tilespmem:s28+$0x10];
	v25 =	vadd.f32 v31, v25;
	v13 =	vtrunc.f32 v13;
	v52 =	vmul.f32 $3.000000000e+00, v17  }
0xbd: {  	v28 =	vmul.f32 $3.000000000e+00, v18;
	v24 =	vadd.f32 v46, v24;
	v27 =	vadd.f32 v48, v27  }
0xbe: {  	v31 =	vmul.f32 $3.000000000e+00, v11;
	v23 =	vadd.f32 v49, v23;
	v26 =	vmax.f32 v26, $0.0e+00  }
0xbf: {  	v20 =	vmax.f32 v20, $0.0e+00;
	v63 =	vshrl.u32 v59, $0x10;
	v48 =	vshrl.u32 v60, $0x10  }
0xc0: {  	v21 =	vmax.f32 v21, $0.0e+00;
	v25 =	vmax.f32 v25, $0.0e+00;
	v22 =	vmax.f32 v22, $0.0e+00  }
0xc1: {  	v26 =	vmin.f32 v26, $2.000000000e+00;
	v20 =	vmin.f32 v20, $2.000000000e+00;
	v61 =	vshrl.u32 v57, $0x10  }
0xc2: {  	v36 =	vand.u32 $0x1, v63;
	v40 =	vand.u32 $0x1, v48;
	v24 =	vmax.f32 v24, $0.0e+00  }
0xc3: {  	v56 =	vld [tilespmem:s26+$0x10];
	v27 =	vmax.f32 v27, $0.0e+00;
	v23 =	vmax.f32 v23, $0.0e+00;
	v21 =	vmin.f32 v21, $2.000000000e+00  }
0xc4: {  	v26 =	vsub.f32 v12, v26;
	v12 =	vsub.f32 v29, v20;
	v22 =	vmin.f32 v22, $2.000000000e+00  }
0xc5: {  	v25 =	vmin.f32 v25, $2.000000000e+00;
	v32 =	vand.u32 $0x1, v61;
	v24 =	vmin.f32 v24, $2.000000000e+00  }
0xc6: {  	s0 =	simm.s32 $0x4060;
	v23 =	vmin.f32 v23, $2.000000000e+00;
	v21 =	vsub.f32 v50, v21;
	v25 =	vsub.f32 v53, v25  }
0xc7: {  	v54 =	vld [tilespmem:s0+$0x0];
	v53 =	vadd.s32 v40, v60;
	v20 =	vsub.f32 v31, v23;
	v23 =	vmin.f32 v27, $2.000000000e+00  }
0xc8: {  	v55 =	vld [tilespmem:s0+$0xFFFFFFF0];
	v24 =	vsub.f32 v52, v24;
	v12 =	vmin.f32 v45, v12;
	v31 =	vshrl.u32 v56, $0x10  }
0xc9: {  	v29 =	vld [tilespmem:s26+$0xFFFFFFE0];
	v52 =	vadd.s32 v36, v59;
	v33 =	vadd.s32 $0x7FFF, v53;
	v23 =	vsub.f32 v28, v23  }
0xca: {  	v30 =	vld [tilespmem:s0+$0x10];
	v31 =	vand.u32 $0x1, v31;
	v33 =	vand.u32 $0xFFFF0000, v33;
	v20 =	vmin.f32 v45, v20  }
0xcb: {  	v58 =	vld [tilespmem:s0+$0xFFFFFFE0];
	v24 =	vmin.f32 v12, v24;
	v12 =	vsub.f32 v51, v22;
	v59 =	vmul.f32 v33, v3  }
0xcc: {  	v27 =	vld [tilespmem:s26+$0xFFFFFFF0];
	v61 =	vmul.f32 v33, v6;
	v33 =	vmul.f32 v33, v9;
	v23 =	vmin.f32 v20, v23  }
0xcd: {  	v20 =	vtrunc.f32 v19;
	v24 =	vmin.f32 v24, v21;
	v19 =	vtrunc.f32 v11  }
0xce: {  	v28 =	vld [tilespmem:s28+$0xFFFFFFF0];
	v49 =	vshrl.u32 v29, $0x10;
	v21 =	vmin.f32 v23, v25;
	v11 =	vmin.f32 v24, v26  }
0xcf: {  	v23 =	vshrl.u32 v55, $0x10;
	v24 =	vshrl.u32 v54, $0x10;
	v25 =	vshrl.u32 v30, $0x10  }
0xd0: {  	v26 =	vshrl.u32 v58, $0x10;
	v43 =	vand.u32 $0x1, v49;
	v19 =	vcvt.f32.s32 v19  }
0xd1: {  	v22 =	vld [tilespmem:s28+$0xFFFFFFE0];
	v62 =	vshrl.u32 v27, $0x10;
	v23 =	vand.u32 $0x1, v23;
	v24 =	vand.u32 $0x1, v24  }
0xd2: {  	v25 =	vand.u32 $0x1, v25;
	v26 =	vand.u32 $0x1, v26;
	v29 =	vadd.s32 v43, v29  }
0xd3: {  	v51 =	vshrl.u32 v28, $0x10;
	v35 =	vand.u32 $0x1, v62;
	v23 =	vadd.s32 v23, v55  }
0xd4: {  	v24 =	vadd.s32 v24, v54;
	v25 =	vadd.s32 v25, v30;
	v26 =	vadd.s32 v26, v58  }
0xd5: {  	v30 =	vadd.s32 v31, v56;
	v31 =	vadd.s32 v32, v57;
	v32 =	vadd.s32 $0x7FFF, v52  }
0xd6: {  	v29 =	vadd.s32 $0x7FFF, v29;
	v50 =	vshrl.u32 v22, $0x10;
	v45 =	vand.u32 $0x1, v51  }
0xd7: {  	v27 =	vadd.s32 v35, v27;
	v23 =	vadd.s32 $0x7FFF, v23;
	v24 =	vadd.s32 $0x7FFF, v24  }
0xd8: {  	v25 =	vadd.s32 $0x7FFF, v25;
	v26 =	vadd.s32 $0x7FFF, v26;
	v30 =	vadd.s32 $0x7FFF, v30  }
0xd9: {  	v31 =	vadd.s32 $0x7FFF, v31;
	v32 =	vand.u32 $0xFFFF0000, v32;
	v29 =	vand.u32 $0xFFFF0000, v29  }
0xda: {  	v44 =	vand.u32 $0x1, v50;
	v28 =	vadd.s32 v45, v28;
	v27 =	vadd.s32 $0x7FFF, v27  }
0xdb: {  	v25 =	vand.u32 $0xFFFF0000, v25;
	v58 =	vmul.f32 v32, v2;
	v60 =	vmul.f32 v32, v5  }
0xdc: {  	v24 =	vand.u32 $0xFFFF0000, v24;
	v32 =	vmul.f32 v32, v8;
	v50 =	vmul.f32 v29, v2  }
0xdd: {  	v30 =	vand.u32 $0xFFFF0000, v30;
	v62 =	vmul.f32 v29, v5;
	v29 =	vmul.f32 v29, v8  }
0xde: {  	v31 =	vand.u32 $0xFFFF0000, v31;
	v34 =	vmul.f32 v25, v4;
	v35 =	vmul.f32 v25, v7  }
0xdf: {  	v23 =	vand.u32 $0xFFFF0000, v23;
	v36 =	vmul.f32 v24, v4;
	v25 =	vmul.f32 v25, v10  }
0xe0: {  	v26 =	vand.u32 $0xFFFF0000, v26;
	v37 =	vmul.f32 v24, v7;
	v24 =	vmul.f32 v24, v10  }
0xe1: {  	v22 =	vadd.s32 v44, v22;
	v54 =	vmul.f32 v30, v2;
	v55 =	vmul.f32 v31, v3  }
0xe2: {  	v28 =	vadd.s32 $0x7FFF, v28;
	v56 =	vmul.f32 v30, v5;
	v57 =	vmul.f32 v31, v6  }
0xe3: {  	v30 =	vmul.f32 v30, v8;
	v31 =	vmul.f32 v31, v9;
	v27 =	vand.u32 $0xFFFF0000, v27  }
0xe4: {  	v22 =	vadd.s32 $0x7FFF, v22;
	v28 =	vand.u32 $0xFFFF0000, v28;
	v46 =	vmul.f32 v27, v2  }
0xe5: {  	v48 =	vmul.f32 v27, v5;
	v27 =	vmul.f32 v27, v8;
	v63 =	vadd.f32 v59, v58  }
0xe6: {  	v45 =	vadd.f32 v61, v60;
	v32 =	vadd.f32 v33, v32;
	v47 =	vmul.f32 v28, v3  }
0xe7: {  	v49 =	vmul.f32 v28, v6;
	v22 =	vand.u32 $0xFFFF0000, v22;
	v38 =	vadd.f32 v55, v54  }
0xe8: {  	v28 =	vmul.f32 v28, v9;
	v40 =	vadd.f32 v57, v56;
	v30 =	vadd.f32 v31, v30  }
0xe9: {  	v51 =	vmul.f32 v22, v3;
	v31 =	vmul.f32 v22, v6;
	v36 =	vadd.f32 v36, v63  }
0xea: {  	v22 =	vmul.f32 v22, v9;
	v37 =	vadd.f32 v37, v45;
	v32 =	vadd.f32 v24, v32  }
0xeb: {  	v24 =	vmul.f32 v26, v10;
	v47 =	vadd.f32 v47, v46;
	v48 =	vadd.f32 v49, v48  }
0xec: {  	v27 =	vadd.f32 v28, v27;
	v49 =	vmul.f32 v23, v4;
	v34 =	vadd.f32 v34, v38  }
0xed: {  	v35 =	vadd.f32 v35, v40;
	v30 =	vadd.f32 v25, v30;
	v25 =	vmul.f32 v26, v4  }
0xee: {  	v28 =	vadd.f32 v51, v50;
	v22 =	vadd.f32 v22, v29;
	v29 =	vmul.f32 v23, v7  }
0xef: {  	v31 =	vadd.f32 v31, v62;
	v23 =	vmul.f32 v23, v10;
	v50 =	vmul.f32 v26, v7  }
0xf0: {  	v39 =	vadd.f32 v49, v47;
	v26 =	vmul.f32 v35, v0;
	v29 =	vadd.f32 v29, v48  }
0xf1: {  	v51 =	vmul.f32 v30, v0;
	v23 =	vadd.f32 v23, v27;
	v28 =	vadd.f32 v25, v28  }
0xf2: {  	v25 =	vmul.f32 v34, v0;
	v31 =	vadd.f32 v50, v31;
	v27 =	vmul.f32 v36, v0  }
0xf3: {  	v38 =	vadd.f32 v24, v22;
	v22 =	vmul.f32 v37, v0;
	v24 =	vmul.f32 v32, v0  }
0xf4: {  	v52 =	vmul.f32 v39, v0;
	v55 =	vadd.f32 $1.258291200e+07, v26;
	v33 =	vadd.f32 $1.258291200e+07, v51  }
0xf5: {  	v53 =	vmul.f32 v29, v0;
	v25 =	vadd.f32 $1.258291200e+07, v25;
	v54 =	vmul.f32 v23, v0  }
0xf6: {  	v26 =	vmul.f32 v28, v0;
	v56 =	vadd.f32 $1.258291200e+07, v27;
	v22 =	vadd.f32 $1.258291200e+07, v22  }
0xf7: {  	v27 =	vmul.f32 v31, v0;
	v24 =	vadd.f32 $1.258291200e+07, v24;
	v40 =	vadd.f32 $1.258291200e+07, v52  }
0xf8: {  	v57 =	vmul.f32 v38, v0;
	v33 =	vadd.f32 $-1.258291200e+07, v33;
	v41 =	vadd.f32 $1.258291200e+07, v53  }
0xf9: {  	v12 =	vmin.f32 v21, v12;
	v42 =	vadd.f32 $1.258291200e+07, v54;
	v21 =	vadd.f32 $1.258291200e+07, v26  }
0xfa: {  	v43 =	vtrunc.f32 v15;
	v58 =	vadd.f32 $1.258291200e+07, v27;
	v45 =	vadd.f32 $1.258291200e+07, v57  }
0xfb: {  	v44 =	vtrunc.f32 v16;
	v26 =	vadd.f32 $-1.258291200e+07, v25;
	v27 =	vadd.f32 $-1.258291200e+07, v55  }
0xfc: {  	v16 =	vcvt.f32.s32 v20;
	v15 =	vadd.f32 $-1.258291200e+07, v56;
	v25 =	vadd.f32 $-1.258291200e+07, v22  }
0xfd: {  	v48 =	vtrunc.f32 v18;
	v59 =	vadd.f32 $-1.258291200e+07, v24;
	v18 =	vadd.f32 $-1.258291200e+07, v40  }
0xfe: {  	v47 =	vtrunc.f32 v17;
	v17 =	vadd.f32 $-1.258291200e+07, v41;
	v41 =	vadd.f32 $-1.258291200e+07, v42  }
0xff: {  	v57 =	vmul.f32 $3.000000000e+00, v33;
	v24 =	vadd.f32 $-1.258291200e+07, v21;
	v22 =	vadd.f32 $-1.258291200e+07, v58  }
0x100: {  	v20 =	vadd.f32 $-1.258291200e+07, v45;
	v21 =	vadd.f32 v27, v26;
	v61 =	vmul.f32 $3.000000000e+00, v26  }
0x101: {  	v60 =	vadd.f32 v25, v15;
	v62 =	vmul.f32 $3.000000000e+00, v27;
	v56 =	vmul.f32 $3.000000000e+00, v15  }
0x102: {  	v53 =	vmul.f32 $3.000000000e+00, v25;
	v30 =	vsub.f32 v30, v57;
	v63 =	vadd.f32 v17, v18  }
0x103: {  	v40 =	vmul.f32 $3.000000000e+00, v59;
	v52 =	vadd.f32 v22, v24;
	v42 =	vadd.f32 v60, v59  }
0x104: {  	v58 =	vmul.f32 $3.000000000e+00, v18;
	v21 =	vadd.f32 v21, v33;
	v34 =	vsub.f32 v34, v61  }
0x105: {  	v59 =	vmul.f32 $3.000000000e+00, v17;
	v35 =	vsub.f32 v35, v62;
	v60 =	vmul.f32 $3.000000000e+00, v24  }
0x106: {  	v36 =	vsub.f32 v36, v56;
	v61 =	vmul.f32 $3.000000000e+00, v22;
	v37 =	vsub.f32 v37, v53  }
0x107: {  	v32 =	vsub.f32 v32, v40;
	v33 =	vsub.f32 v39, v58;
	v39 =	vcvt.f32.s32 v47  }
0x108: {  	v52 =	vadd.f32 v52, v20;
	v49 =	vadd.f32 v63, v41;
	v41 =	vmul.f32 $3.000000000e+00, v41  }
0x109: {  	v20 =	vmul.f32 $3.000000000e+00, v20;
	v29 =	vsub.f32 v29, v59;
	v28 =	vsub.f32 v28, v60  }
0x10a: {  	v31 =	vsub.f32 v31, v61;
	vm0 =	vgt.f32 v35, v34;
	vm1 =	vgt.f32 v30, v34  }
0x10b: {  	vm2 =	vge.f32 v34, v35;
	vm3 =	vgt.f32 v37, v36;
	vm4 =	vgt.f32 v32, v36  }
0x10c: {  	vm5 =	vgt.f32 v30, v35;
	vm7 =	vge.f32 v36, v37;
	vm8 =	vgt.f32 v32, v37  }
0x10d: {  	v30 =	vsel vm5, $0x3F800000, v1;
	v62 =	vsel vm7, $0x3F800000, v1;
	v63 =	vsel vm8, $0x3F800000, v1  }
0x10e: {  	v23 =	vsub.f32 v23, v41;
	v20 =	vsub.f32 v38, v20;
	vm6 =	vgt.f32 v29, v33  }
0x10f: {  	vm10 =	vge.f32 v33, v29;
	vm12 =	vgt.f32 v31, v28;
	vm14 =	vge.f32 v28, v31  }
0x110: {  	v32 =	vadd.f32 v63, v62;
	v40 =	vsel vm6, $0x3F800000, v1;
	v45 =	vsel vm10, $0x3F800000, v1  }
0x111: {  	v46 =	vsel vm12, $0x3F800000, v1;
	vm9 =	vgt.f32 v23, v33;
	vm11 =	vgt.f32 v23, v29  }
0x112: {  	vm13 =	vgt.f32 v20, v28;
	vm15 =	vgt.f32 v20, v31;
	v20 =	vsel vm0, $0x3F800000, v1  }
0x113: {  	v23 =	vsel vm1, $0x3F800000, v1;
	v28 =	vsel vm3, $0x3F800000, v1;
	v29 =	vsel vm2, $0x3F800000, v1  }
0x114: {  	v31 =	vsel vm4, $0x3F800000, v1;
	v41 =	vsel vm9, $0x3F800000, v1;
	v47 =	vsel vm11, $0x3F800000, v1  }
0x115: {  	v20 =	vadd.f32 v23, v20;
	v23 =	vsel vm13, $0x3F800000, v1;
	v28 =	vadd.f32 v31, v28  }
0x116: {  	v29 =	vadd.f32 v30, v29;
	v30 =	vsel vm14, $0x3F800000, v1;
	v31 =	vadd.f32 v41, v40  }
0x117: {  	v50 =	vsel vm15, $0x3F800000, v1;
	v23 =	vadd.f32 v23, v46;
	v51 =	vadd.f32 v47, v45  }
0x118: {  	v35 =	vcvt.f32.s32 v48;
	v30 =	vadd.f32 v50, v30;
	v41 =	vadd.f32 v32, v42  }
0x119: {  	v38 =	vcvt.f32.s32 v44;
	v36 =	vadd.f32 v20, v21;
	v37 =	vadd.f32 v28, v42  }
0x11a: {  	v20 =	vcvt.f32.s32 v43;
	v40 =	vadd.f32 v29, v21;
	v28 =	vadd.f32 v31, v49  }
0x11b: {  	v42 =	vcvt.f32.s32 v14;
	v29 =	vadd.f32 v23, v52;
	v23 =	vadd.f32 v51, v49  }
0x11c: {  	v21 =	vadd.f32 v30, v52;
	vm6 =	vlt.f32 v41, $0.0e+00;
	vm7 =	vge.f32 v41, $3.000000000e+00  }
0x11d: {  	vm0 =	vlt.f32 v36, $0.0e+00;
	vm1 =	vge.f32 v36, $3.000000000e+00;
	vm2 =	vlt.f32 v37, $0.0e+00  }
0x11e: {  	vm3 =	vlt.f32 v40, $0.0e+00;
	vm4 =	vge.f32 v40, $3.000000000e+00;
	vm5 =	vge.f32 v37, $3.000000000e+00  }
0x11f: {  	v56 =	vsel vm6, $0x3F800000, v1;
	v59 =	vsel vm7, $0x3F800000, v1;
	vm8 =	vlt.f32 v28, $0.0e+00  }
0x120: {  	vm9 =	vge.f32 v28, $3.000000000e+00;
	vm10 =	vlt.f32 v23, $0.0e+00;
	vm11 =	vlt.f32 v29, $0.0e+00  }
0x121: {  	vm12 =	vge.f32 v29, $3.000000000e+00;
	vm13 =	vge.f32 v23, $3.000000000e+00;
	vm14 =	vlt.f32 v21, $0.0e+00  }
0x122: {  	vm15 =	vge.f32 v21, $3.000000000e+00;
	v14 =	vsel vm0, $0x3F800000, v1;
	v30 =	vsel vm1, $0x3F800000, v1  }
0x123: {  	v31 =	vsel vm3, $0x3F800000, v1;
	v53 =	vsel vm4, $0x3F800000, v1;
	v54 =	vsel vm2, $0x3F800000, v1  }
0x124: {  	v55 =	vsel vm5, $0x3F800000, v1;
	v57 =	vsel vm8, $0x3F800000, v1;
	v58 =	vsel vm9, $0x3F800000, v1  }
0x125: {  	v60 =	vsel vm11, $0x3F800000, v1;
	v61 =	vsel vm10, $0x3F800000, v1;
	v62 =	vsel vm13, $0x3F800000, v1  }
0x126: {  	v63 =	vsel vm12, $0x3F800000, v1;
	v30 =	vsub.f32 v14, v30;
	v31 =	vsub.f32 v31, v53  }
0x127: {  	v14 =	vsel vm14, $0x3F800000, v1;
	v52 =	vsub.f32 v54, v55;
	v53 =	vsub.f32 v56, v59  }
0x128: {  	v54 =	vsel vm15, $0x3F800000, v1;
	v55 =	vsub.f32 v57, v58;
	v56 =	vsub.f32 v61, v62  }
0x129: {  	v57 =	vcvt.f32.s32 v13;
	v58 =	vsub.f32 v60, v63;
	v59 =	vsub.f32 v14, v54  }
0x12a: {  	s30 =	simm.s32 $0xC0A0;
	v14 =	vadd.f32 v30, v26;
	v13 =	vadd.f32 v31, v27;
	v60 =	vmul.f32 $3.000000000e+00, v30  }
0x12b: {  	s29 =	simm.s32 $0xE0A0;
	[tilespmem:s30+$0xFFFFFFE0] =	vst v16;
	v15 =	vadd.f32 v52, v15;
	v61 =	vmul.f32 $3.000000000e+00, v52;
	v62 =	vmul.f32 $3.000000000e+00, v31  }
0x12c: {  	[tilespmem:s29+$0xFFFFFFE0] =	vst v19;
	v16 =	vadd.f32 v53, v25;
	v63 =	vmul.f32 $3.000000000e+00, v53;
	v33 =	vmul.f32 $3.000000000e+00, v55  }
0x12d: {  	[tilespmem:s30+$0xFFFFFFF0] =	vst v39;
	v34 =	vmul.f32 $3.000000000e+00, v58;
	v18 =	vadd.f32 v55, v18;
	v32 =	vmul.f32 $3.000000000e+00, v56  }
0x12e: {  	[tilespmem:s29+$0xFFFFFFF0] =	vst v35;
	v31 =	vmul.f32 $3.000000000e+00, v59;
	v17 =	vadd.f32 v56, v17;
	v19 =	vadd.f32 v58, v24  }
0x12f: {  	[tilespmem:s30+$0x0] =	vst v20;
	v20 =	vadd.f32 v59, v22;
	v26 =	vmul.f32 $3.000000000e+00, v14;
	v27 =	vmul.f32 $3.000000000e+00, v15  }
0x130: {  	[tilespmem:s29+$0x0] =	vst v38;
	v24 =	vmul.f32 $3.000000000e+00, v13;
	v22 =	vmul.f32 $3.000000000e+00, v16;
	v38 =	vadd.f32 v60, v36  }
0x131: {  	[tilespmem:s30+$0x10] =	vst v42;
	v35 =	vadd.f32 v62, v40;
	v39 =	vadd.f32 v61, v37;
	v30 =	vmul.f32 $3.000000000e+00, v18  }
0x132: {  	s31 =	simm.s32 $0x4;
	s0 =	simm.s32 $0x40A0;
	[tilespmem:s29+$0x10] =	vst v57;
	v37 =	vadd.f32 v63, v41;
	v25 =	vmul.f32 $3.000000000e+00, v17;
	v36 =	vmul.f32 $3.000000000e+00, v19  }
.LBB2_3:
0x133: {  	v40 =	vld [tilespmem:s0+$0x10];
	v41 =	vmul.f32 $3.000000000e+00, v20;
	v28 =	vadd.f32 v33, v28;
	v23 =	vadd.f32 v32, v23  }
0x134: {  	v29 =	vadd.f32 v34, v29;
	v21 =	vadd.f32 v31, v21;
	v31 =	vmax.f32 v38, $0.0e+00;
	v32 =	vld [tilespmem:s0+$0x0]  }
0x135: {  	v35 =	vmax.f32 v35, $0.0e+00;
	s26 =	sadd.s32 $0x40, s26;
	v34 =	vmax.f32 v39, $0.0e+00;
	v37 =	vmax.f32 v37, $0.0e+00;
	v33 =	vld [tilespmem:s0+$0xFFFFFFF0]  }
0x136: {  	s28 =	sadd.s32 $0x40, s28;
	v29 =	vmax.f32 v29, $0.0e+00;
	v28 =	vmax.f32 v28, $0.0e+00;
	v23 =	vmax.f32 v23, $0.0e+00;
	v38 =	vld [tilespmem:s26+$0x10]  }
0x137: {  	v31 =	vmin.f32 v31, $2.000000000e+00;
	v35 =	vmin.f32 v35, $2.000000000e+00;
	v21 =	vmax.f32 v21, $0.0e+00;
	v39 =	vld [tilespmem:s28+$0x10]  }
0x138: {  	v34 =	vmin.f32 v34, $2.000000000e+00;
	v29 =	vmin.f32 v29, $2.000000000e+00;
	v28 =	vmin.f32 v28, $2.000000000e+00;
	v42 =	vld [tilespmem:s0+$0xFFFFFFE0]  }
0x139: {  	v26 =	vsub.f32 v26, v31;
	v21 =	vmin.f32 v21, $2.000000000e+00;
	v27 =	vsub.f32 v27, v34;
	v43 =	vld [tilespmem:s26+$0x0]  }
0x13a: {  	v23 =	vmin.f32 v23, $2.000000000e+00;
	v29 =	vsub.f32 v36, v29;
	v21 =	vsub.f32 v41, v21;
	v31 =	vld [tilespmem:s28+$0x0]  }
0x13b: {  	v28 =	vsub.f32 v30, v28;
	v23 =	vsub.f32 v25, v23;
	v25 =	vmin.f32 v37, $2.000000000e+00;
	v34 =	vld [tilespmem:s26+$0xFFFFFFF0]  }
0x13c: {  	v11 =	vmin.f32 v11, v29;
	v12 =	vmin.f32 v12, v21;
	v21 =	vsub.f32 v22, v25;
	v30 =	vld [tilespmem:s28+$0xFFFFFFF0]  }
0x13d: {  	v11 =	vmin.f32 v11, v28;
	v12 =	vmin.f32 v12, v23;
	v23 =	vsub.f32 v24, v35;
	v22 =	vld [tilespmem:s26+$0xFFFFFFE0]  }
0x13e: {  	v19 =	vtrunc.f32 v19;
	v11 =	vmin.f32 v11, v27;
	v12 =	vmin.f32 v12, v21;
	v24 =	vld [tilespmem:s28+$0xFFFFFFE0]  }
0x13f: {  	v20 =	vtrunc.f32 v20;
	v11 =	vmin.f32 v11, v26;
	v12 =	vmin.f32 v12, v23  }
0x140: {  	v25 =	vshrl.u32 v40, $0x10;
	v21 =	vshrl.u32 v33, $0x10;
	v23 =	vshrl.u32 v32, $0x10  }
0x141: {  	v27 =	vshrl.u32 v38, $0x10;
	v28 =	vshrl.u32 v39, $0x10;
	v26 =	vshrl.u32 v42, $0x10  }
0x142: {  	v35 =	vshrl.u32 v43, $0x10;
	v36 =	vshrl.u32 v31, $0x10;
	v29 =	vshrl.u32 v34, $0x10  }
0x143: {  	v44 =	vshrl.u32 v30, $0x10;
	v37 =	vshrl.u32 v22, $0x10;
	v41 =	vshrl.u32 v24, $0x10  }
0x144: {  	v25 =	vand.u32 $0x1, v25;
	v21 =	vand.u32 $0x1, v21;
	v23 =	vand.u32 $0x1, v23  }
0x145: {  	v27 =	vand.u32 $0x1, v27;
	v28 =	vand.u32 $0x1, v28;
	v26 =	vand.u32 $0x1, v26  }
0x146: {  	v35 =	vand.u32 $0x1, v35;
	v36 =	vand.u32 $0x1, v36;
	v29 =	vand.u32 $0x1, v29  }
0x147: {  	v44 =	vand.u32 $0x1, v44;
	v37 =	vand.u32 $0x1, v37;
	v41 =	vand.u32 $0x1, v41  }
0x148: {  	v25 =	vadd.s32 v25, v40;
	v21 =	vadd.s32 v21, v33;
	v23 =	vadd.s32 v23, v32  }
0x149: {  	v27 =	vadd.s32 v27, v38;
	v28 =	vadd.s32 v28, v39;
	v26 =	vadd.s32 v26, v42  }
0x14a: {  	v32 =	vadd.s32 v35, v43;
	v31 =	vadd.s32 v36, v31;
	v29 =	vadd.s32 v29, v34  }
0x14b: {  	v30 =	vadd.s32 v44, v30;
	v22 =	vadd.s32 v37, v22;
	v24 =	vadd.s32 v41, v24  }
0x14c: {  	v25 =	vadd.s32 $0x7FFF, v25;
	v21 =	vadd.s32 $0x7FFF, v21;
	v23 =	vadd.s32 $0x7FFF, v23  }
0x14d: {  	v27 =	vadd.s32 $0x7FFF, v27;
	v28 =	vadd.s32 $0x7FFF, v28;
	v26 =	vadd.s32 $0x7FFF, v26  }
0x14e: {  	v32 =	vadd.s32 $0x7FFF, v32;
	v31 =	vadd.s32 $0x7FFF, v31;
	v29 =	vadd.s32 $0x7FFF, v29  }
0x14f: {  	v25 =	vand.u32 $0xFFFF0000, v25;
	v30 =	vadd.s32 $0x7FFF, v30;
	v22 =	vadd.s32 $0x7FFF, v22  }
0x150: {  	v33 =	vmul.f32 v25, v4;
	v23 =	vand.u32 $0xFFFF0000, v23;
	v34 =	vmul.f32 v25, v7  }
0x151: {  	v27 =	vand.u32 $0xFFFF0000, v27;
	v35 =	vmul.f32 v23, v4;
	v25 =	vmul.f32 v25, v10  }
0x152: {  	v28 =	vand.u32 $0xFFFF0000, v28;
	v36 =	vmul.f32 v23, v7;
	v23 =	vmul.f32 v23, v10  }
0x153: {  	v38 =	vmul.f32 v28, v3;
	v37 =	vmul.f32 v27, v2;
	v24 =	vadd.s32 $0x7FFF, v24  }
0x154: {  	v39 =	vmul.f32 v27, v5;
	v40 =	vmul.f32 v28, v6;
	v32 =	vand.u32 $0xFFFF0000, v32  }
0x155: {  	v28 =	vmul.f32 v28, v9;
	v31 =	vand.u32 $0xFFFF0000, v31;
	v27 =	vmul.f32 v27, v8  }
0x156: {  	v21 =	vand.u32 $0xFFFF0000, v21;
	v42 =	vmul.f32 v31, v3;
	v41 =	vmul.f32 v32, v2  }
0x157: {  	v43 =	vmul.f32 v32, v5;
	v29 =	vand.u32 $0xFFFF0000, v29;
	v44 =	vmul.f32 v31, v6  }
0x158: {  	v31 =	vmul.f32 v31, v9;
	v30 =	vand.u32 $0xFFFF0000, v30;
	v32 =	vmul.f32 v32, v8  }
0x159: {  	v26 =	vand.u32 $0xFFFF0000, v26;
	v45 =	vmul.f32 v29, v2;
	v46 =	vmul.f32 v30, v3  }
0x15a: {  	v47 =	vmul.f32 v29, v5;
	v22 =	vand.u32 $0xFFFF0000, v22;
	v48 =	vmul.f32 v30, v6  }
0x15b: {  	v29 =	vmul.f32 v29, v8;
	v30 =	vmul.f32 v30, v9;
	v24 =	vand.u32 $0xFFFF0000, v24  }
0x15c: {  	v37 =	vadd.f32 v38, v37;
	v49 =	vmul.f32 v22, v2;
	v50 =	vmul.f32 v24, v3  }
0x15d: {  	v39 =	vadd.f32 v40, v39;
	v27 =	vadd.f32 v28, v27;
	v38 =	vmul.f32 v22, v5  }
0x15e: {  	v40 =	vadd.f32 v42, v41;
	v41 =	vadd.f32 v44, v43;
	v28 =	vmul.f32 v24, v6  }
0x15f: {  	v22 =	vmul.f32 v22, v8;
	v31 =	vadd.f32 v31, v32;
	v42 =	vadd.f32 v46, v45  }
0x160: {  	v24 =	vmul.f32 v24, v9;
	v32 =	vadd.f32 v48, v47;
	v29 =	vadd.f32 v30, v29  }
0x161: {  	v30 =	vadd.f32 v50, v49;
	v28 =	vadd.f32 v28, v38;
	v38 =	vmul.f32 v21, v4  }
0x162: {  	v33 =	vadd.f32 v33, v37;
	v22 =	vadd.f32 v24, v22;
	v24 =	vmul.f32 v21, v7  }
0x163: {  	v34 =	vadd.f32 v34, v39;
	v37 =	vadd.f32 v25, v27;
	v21 =	vmul.f32 v21, v10  }
0x164: {  	v25 =	vmul.f32 v26, v4;
	v35 =	vadd.f32 v35, v40;
	v36 =	vadd.f32 v36, v41  }
0x165: {  	v27 =	vmul.f32 v26, v7;
	v23 =	vadd.f32 v23, v31;
	v38 =	vadd.f32 v38, v42  }
0x166: {  	v26 =	vmul.f32 v26, v10;
	v31 =	vadd.f32 v24, v32;
	v21 =	vadd.f32 v21, v29  }
0x167: {  	v29 =	vadd.f32 v25, v30;
	v24 =	vmul.f32 v33, v0;
	v25 =	vmul.f32 v34, v0  }
0x168: {  	v28 =	vadd.f32 v27, v28;
	v27 =	vmul.f32 v35, v0;
	v30 =	vmul.f32 v37, v0  }
0x169: {  	v32 =	vadd.f32 v26, v22;
	v22 =	vmul.f32 v36, v0;
	v26 =	vmul.f32 v23, v0  }
0x16a: {  	v39 =	vmul.f32 v38, v0;
	v40 =	vmul.f32 v31, v0;
	v24 =	vadd.f32 $1.258291200e+07, v24  }
0x16b: {  	v41 =	vmul.f32 v21, v0;
	v25 =	vadd.f32 $1.258291200e+07, v25;
	v30 =	vadd.f32 $1.258291200e+07, v30  }
0x16c: {  	v42 =	vmul.f32 v29, v0;
	v43 =	vadd.f32 $1.258291200e+07, v27;
	v22 =	vadd.f32 $1.258291200e+07, v22  }
0x16d: {  	v27 =	vmul.f32 v28, v0;
	v44 =	vadd.f32 $1.258291200e+07, v26;
	v39 =	vadd.f32 $1.258291200e+07, v39  }
0x16e: {  	v26 =	vmul.f32 v32, v0;
	v40 =	vadd.f32 $1.258291200e+07, v40;
	v41 =	vadd.f32 $1.258291200e+07, v41  }
0x16f: {  	v46 =	vtrunc.f32 v18;
	v42 =	vadd.f32 $1.258291200e+07, v42;
	v45 =	vadd.f32 $1.258291200e+07, v27  }
0x170: {  	v48 =	vtrunc.f32 v17;
	v47 =	vadd.f32 $1.258291200e+07, v26;
	v26 =	vadd.f32 $-1.258291200e+07, v24  }
0x171: {  	v49 =	vtrunc.f32 v15;
	v27 =	vadd.f32 $-1.258291200e+07, v25;
	v30 =	vadd.f32 $-1.258291200e+07, v30  }
0x172: {  	v16 =	vtrunc.f32 v16;
	v15 =	vadd.f32 $-1.258291200e+07, v43;
	v18 =	vadd.f32 $-1.258291200e+07, v22  }
0x173: {  	v14 =	vtrunc.f32 v14;
	v17 =	vadd.f32 $-1.258291200e+07, v39;
	v39 =	vadd.f32 $-1.258291200e+07, v44  }
0x174: {  	v13 =	vtrunc.f32 v13;
	v24 =	vadd.f32 $-1.258291200e+07, v40;
	v40 =	vadd.f32 $-1.258291200e+07, v41  }
0x175: {  	v19 =	vcvt.f32.s32 v19;
	v25 =	vadd.f32 $-1.258291200e+07, v42;
	v22 =	vadd.f32 $-1.258291200e+07, v45  }
0x176: {  	s30 =	sadd.s32 $0x40, s30;
	v20 =	vcvt.f32.s32 v20;
	v41 =	vadd.f32 $-1.258291200e+07, v47;
	v42 =	vadd.f32 v27, v26  }
0x177: {  	s29 =	sadd.s32 $0x40, s29;
	v43 =	vadd.f32 v18, v15;
	v44 =	vmul.f32 $3.000000000e+00, v26;
	v45 =	vmul.f32 $3.000000000e+00, v27;
	[tilespmem:s30+$0xFFFFFFE0] =	vst v19  }
0x178: {  	v47 =	vmul.f32 $3.000000000e+00, v15;
	v50 =	vmul.f32 $3.000000000e+00, v30;
	v19 =	vadd.f32 v24, v17;
	[tilespmem:s29+$0xFFFFFFE0] =	vst v20  }
0x179: {  	v51 =	vmul.f32 $3.000000000e+00, v18;
	v52 =	vmul.f32 $3.000000000e+00, v39;
	v20 =	vadd.f32 v22, v25  }
0x17a: {  	v53 =	vmul.f32 $3.000000000e+00, v17;
	v39 =	vadd.f32 v43, v39;
	v30 =	vadd.f32 v42, v30  }
0x17b: {  	v42 =	vmul.f32 $3.000000000e+00, v24;
	v19 =	vadd.f32 v19, v40;
	v20 =	vadd.f32 v20, v41  }
0x17c: {  	v33 =	vsub.f32 v33, v44;
	v34 =	vsub.f32 v34, v45;
	v40 =	vmul.f32 $3.000000000e+00, v40  }
0x17d: {  	v43 =	vmul.f32 $3.000000000e+00, v25;
	v35 =	vsub.f32 v35, v47;
	v37 =	vsub.f32 v37, v50  }
0x17e: {  	v44 =	vmul.f32 $3.000000000e+00, v22;
	v36 =	vsub.f32 v36, v51;
	v23 =	vsub.f32 v23, v52  }
0x17f: {  	v38 =	vsub.f32 v38, v53;
	v31 =	vsub.f32 v31, v42;
	v41 =	vmul.f32 $3.000000000e+00, v41  }
0x180: {  	v29 =	vsub.f32 v29, v43;
	v21 =	vsub.f32 v21, v40;
	v40 =	vcvt.f32.s32 v46  }
0x181: {  	v28 =	vsub.f32 v28, v44;
	v32 =	vsub.f32 v32, v41;
	v41 =	vcvt.f32.s32 v48  }
0x182: {  	vm0 =	vgt.f32 v34, v33;
	vm1 =	vgt.f32 v37, v33;
	vm2 =	vge.f32 v33, v34;
	[tilespmem:s30+$0xFFFFFFF0] =	vst v40  }
0x183: {  	vm3 =	vgt.f32 v36, v35;
	vm5 =	vgt.f32 v37, v34;
	vm4 =	vgt.f32 v23, v35;
	[tilespmem:s29+$0xFFFFFFF0] =	vst v41  }
0x184: {  	vm7 =	vge.f32 v35, v36;
	vm6 =	vgt.f32 v31, v38;
	vm8 =	vgt.f32 v23, v36  }
0x185: {  	vm10 =	vge.f32 v38, v31;
	vm9 =	vgt.f32 v21, v38;
	vm11 =	vgt.f32 v21, v31  }
0x186: {  	vm12 =	vgt.f32 v28, v29;
	vm14 =	vge.f32 v29, v28;
	vm13 =	vgt.f32 v32, v29  }
0x187: {  	s31 =	sadd.s32 $0x4, s31;
	v23 =	vsel vm1, $0x3F800000, v1;
	v21 =	vsel vm0, $0x3F800000, v1;
	vm15 =	vgt.f32 v32, v28  }
0x188: {  	p0 =	slt.u32 s31, $0x1FC;
	v31 =	vsel vm5, $0x3F800000, v1;
	v28 =	vsel vm3, $0x3F800000, v1;
	v29 =	vsel vm2, $0x3F800000, v1  }
0x189: {  	v33 =	vsel vm7, $0x3F800000, v1;
	v34 =	vsel vm8, $0x3F800000, v1;
	v32 =	vsel vm4, $0x3F800000, v1  }
0x18a: {  	v35 =	vsel vm6, $0x3F800000, v1;
	v37 =	vsel vm10, $0x3F800000, v1;
	v36 =	vsel vm9, $0x3F800000, v1  }
0x18b: {  	v38 =	vsel vm12, $0x3F800000, v1;
	v21 =	vadd.f32 v23, v21;
	v40 =	vsel vm11, $0x3F800000, v1  }
0x18c: {  	v23 =	vsel vm13, $0x3F800000, v1;
	v28 =	vadd.f32 v32, v28;
	v29 =	vadd.f32 v31, v29  }
0x18d: {  	v33 =	vadd.f32 v34, v33;
	v31 =	vsel vm14, $0x3F800000, v1;
	v32 =	vadd.f32 v36, v35  }
0x18e: {  	v34 =	vsel vm15, $0x3F800000, v1;
	v23 =	vadd.f32 v23, v38;
	v35 =	vadd.f32 v40, v37  }
0x18f: {  	v31 =	vadd.f32 v34, v31;
	v36 =	vadd.f32 v21, v30;
	v21 =	vcvt.f32.s32 v49  }
0x190: {  	v16 =	vcvt.f32.s32 v16;
	v37 =	vadd.f32 v28, v39;
	v40 =	vadd.f32 v29, v30  }
0x191: {  	v14 =	vcvt.f32.s32 v14;
	v28 =	vadd.f32 v32, v19;
	v41 =	vadd.f32 v33, v39;
	[tilespmem:s30+$0x0] =	vst v21  }
0x192: {  	v13 =	vcvt.f32.s32 v13;
	v29 =	vadd.f32 v23, v20;
	v23 =	vadd.f32 v35, v19;
	[tilespmem:s29+$0x0] =	vst v16  }
0x193: {  	vm0 =	vlt.f32 v36, $0.0e+00;
	vm1 =	vge.f32 v36, $3.000000000e+00;
	v21 =	vadd.f32 v31, v20;
	[tilespmem:s30+$0x10] =	vst v14  }
0x194: {  	vm2 =	vlt.f32 v37, $0.0e+00;
	vm3 =	vlt.f32 v40, $0.0e+00;
	vm4 =	vge.f32 v40, $3.000000000e+00;
	[tilespmem:s29+$0x10] =	vst v13  }
0x195: {  	vm5 =	vge.f32 v37, $3.000000000e+00;
	vm6 =	vlt.f32 v41, $0.0e+00;
	vm7 =	vge.f32 v41, $3.000000000e+00  }
0x196: {  	vm8 =	vlt.f32 v28, $0.0e+00;
	vm9 =	vge.f32 v28, $3.000000000e+00;
	vm10 =	vlt.f32 v23, $0.0e+00  }
0x197: {  	vm11 =	vlt.f32 v29, $0.0e+00;
	vm12 =	vge.f32 v29, $3.000000000e+00;
	vm13 =	vge.f32 v23, $3.000000000e+00  }
0x198: {  	vm14 =	vlt.f32 v21, $0.0e+00;
	vm15 =	vge.f32 v21, $3.000000000e+00;
	v13 =	vsel vm0, $0x3F800000, v1  }
0x199: {  	v19 =	vsel vm4, $0x3F800000, v1;
	v16 =	vsel vm3, $0x3F800000, v1;
	v14 =	vsel vm1, $0x3F800000, v1  }
0x19a: {  	v30 =	vsel vm5, $0x3F800000, v1;
	v20 =	vsel vm2, $0x3F800000, v1;
	v31 =	vsel vm6, $0x3F800000, v1  }
0x19b: {  	v32 =	vsel vm8, $0x3F800000, v1;
	v33 =	vsel vm9, $0x3F800000, v1;
	v34 =	vsel vm7, $0x3F800000, v1  }
0x19c: {  	v35 =	vsel vm11, $0x3F800000, v1;
	v38 =	vsel vm10, $0x3F800000, v1;
	v39 =	vsel vm13, $0x3F800000, v1  }
0x19d: {  	v42 =	vsel vm12, $0x3F800000, v1;
	v16 =	vsub.f32 v16, v19;
	v43 =	vsub.f32 v13, v14  }
0x19e: {  	v19 =	vsub.f32 v20, v30;
	v20 =	vsub.f32 v31, v34;
	v13 =	vsel vm14, $0x3F800000, v1  }
0x19f: {  	v38 =	vsub.f32 v38, v39;
	v30 =	vsub.f32 v32, v33;
	v14 =	vsel vm15, $0x3F800000, v1  }
0x1a0: {  	v35 =	vsub.f32 v35, v42;
	v39 =	vsub.f32 v13, v14  }
0x1a1: {  	v13 =	vadd.f32 v16, v27;
	v14 =	vadd.f32 v43, v26;
	v42 =	vmul.f32 $3.000000000e+00, v43  }
0x1a2: {  	v15 =	vadd.f32 v19, v15;
	v44 =	vmul.f32 $3.000000000e+00, v16;
	v43 =	vmul.f32 $3.000000000e+00, v19  }
0x1a3: {  	v33 =	vmul.f32 $3.000000000e+00, v30;
	v45 =	vmul.f32 $3.000000000e+00, v20;
	v16 =	vadd.f32 v20, v18  }
0x1a4: {  	v34 =	vmul.f32 $3.000000000e+00, v35;
	v32 =	vmul.f32 $3.000000000e+00, v38;
	v18 =	vadd.f32 v30, v17  }
.Ltmp1:
0x1a5: {  	v17 =	vadd.f32 v38, v24;
	v31 =	vmul.f32 $3.000000000e+00, v39;
	v26 =	vmul.f32 $3.000000000e+00, v14;
	(pc) =	sbr.rel @p0 .LBB2_3-.Ltmp1, $4  }
0x1a6: {  	v19 =	vadd.f32 v35, v25;
	v27 =	vmul.f32 $3.000000000e+00, v15;
	v24 =	vmul.f32 $3.000000000e+00, v13  }
0x1a7: {  	v20 =	vadd.f32 v39, v22;
	v30 =	vmul.f32 $3.000000000e+00, v18;
	v22 =	vmul.f32 $3.000000000e+00, v16  }
0x1a8: {  	v35 =	vadd.f32 v44, v40;
	v25 =	vmul.f32 $3.000000000e+00, v17;
	v38 =	vadd.f32 v42, v36  }
0x1a9: {  	s0 =	sadd.s32 $0x40, s0;
	v36 =	vmul.f32 $3.000000000e+00, v19;
	v39 =	vadd.f32 v43, v37;
	v37 =	vadd.f32 v45, v41  }
0x1aa: {  	v2 =	vadd.f32 v34, v29  }
0x1ab: {  	v3 =	vadd.f32 v33, v28  }
0x1ac: {  	v2 =	vmax.f32 v2, $0.0e+00  }
0x1ad: {  	v3 =	vmax.f32 v3, $0.0e+00;
	v2 =	vmin.f32 v2, $2.000000000e+00  }
0x1ae: {  	v4 =	vmax.f32 v39, $0.0e+00;
	v3 =	vmin.f32 v3, $2.000000000e+00;
	v2 =	vsub.f32 v36, v2  }
0x1af: {  	v5 =	vmax.f32 v38, $0.0e+00;
	v4 =	vmin.f32 v4, $2.000000000e+00;
	v3 =	vsub.f32 v30, v3  }
0x1b0: {  	v5 =	vmin.f32 v5, $2.000000000e+00;
	v4 =	vsub.f32 v27, v4;
	v2 =	vmin.f32 v11, v2  }
0x1b1: {  	v5 =	vsub.f32 v26, v5;
	v2 =	vmin.f32 v2, v3  }
0x1b2: {  	v2 =	vmin.f32 v2, v4  }
0x1b3: {  	v2 =	vmin.f32 v2, v5  }
0x1b4: {  	(v2sf) =	vpush v2, $0x0  }
0x1b5: {  	(v2sf) =	vpush v2, $0x1  }
0x1b6: {  	(v2sf) =	vpush v2, $0x2  }
0x1b7: {  	(v2sf) =	vpush v2, $0x3  }
0x1b8: {  	(v2sf) =	vpush v2, $0x4  }
0x1b9: {  	v7 =	vmax.f32 v35, $0.0e+00;
	(v2sf) =	vpush v2, $0x5  }
0x1ba: {  	v6 =	vmax.f32 v37, $0.0e+00;
	v5 =	vadd.f32 v31, v21;
	(v2sf) =	vpush v2, $0x6  }
0x1bb: {  	v7 =	vmin.f32 v7, $2.000000000e+00;
	v3 =	vadd.f32 v32, v23;
	(v2sf) =	vpush v2, $0x7  }
0x1bc: {  	v4 =	vmul.f32 $3.000000000e+00, v20;
	v5 =	vmax.f32 v5, $0.0e+00;
	(v2sf) =	vpush v2, $0x8  }
0x1bd: {  	v3 =	vmax.f32 v3, $0.0e+00;
	v5 =	vmin.f32 v5, $2.000000000e+00;
	(v2sf) =	vpush v2, $0x9  }
0x1be: {  	v3 =	vmin.f32 v3, $2.000000000e+00;
	v4 =	vsub.f32 v4, v5;
	(v2sf) =	vpush v2, $0xA  }
0x1bf: {  	v3 =	vsub.f32 v25, v3;
	v5 =	vmin.f32 v6, $2.000000000e+00;
	(v2sf) =	vpush v2, $0xB  }
0x1c0: {  	v5 =	vsub.f32 v22, v5;
	v4 =	vmin.f32 v12, v4;
	(v2sf) =	vpush v2, $0xC  }
0x1c1: {  	v3 =	vmin.f32 v4, v3;
	v4 =	vsub.f32 v24, v7;
	(v2sf) =	vpush v2, $0xD  }
0x1c2: {  	v3 =	vmin.f32 v3, v5;
	(v2sf) =	vpush v2, $0xE  }
0x1c3: {  	v3 =	vmin.f32 v3, v4;
	s0 =	spop (v2sf);
	(v2sf) =	vpush v2, $0xF  }
0x1c4: {  	s26 =	spop (v2sf);
	(v2sf) =	vpush v3, $0x0  }
0x1c5: {  	s28 =	spop (v2sf);
	(v2sf) =	vpush v3, $0x1;
	s0 =	smin.f32 s0, s26  }
0x1c6: {  	s31 =	spop (v2sf);
	(v2sf) =	vpush v3, $0x2;
	s0 =	smin.f32 s0, s28  }
0x1c7: {  	s26 =	spop (v2sf);
	(v2sf) =	vpush v3, $0x3;
	s0 =	smin.f32 s0, s31  }
0x1c8: {  	s28 =	spop (v2sf);
	(v2sf) =	vpush v3, $0x4;
	s0 =	smin.f32 s0, s26  }
0x1c9: {  	s31 =	spop (v2sf);
	(v2sf) =	vpush v3, $0x5;
	s0 =	smin.f32 s0, s28  }
0x1ca: {  	s26 =	spop (v2sf);
	(v2sf) =	vpush v3, $0x6;
	s0 =	smin.f32 s0, s31  }
0x1cb: {  	s28 =	spop (v2sf);
	(v2sf) =	vpush v3, $0x7;
	s0 =	smin.f32 s0, s26  }
0x1cc: {  	s31 =	spop (v2sf);
	(v2sf) =	vpush v3, $0x8;
	s0 =	smin.f32 s0, s28  }
0x1cd: {  	s26 =	spop (v2sf);
	(v2sf) =	vpush v3, $0x9;
	s0 =	smin.f32 s0, s31  }
0x1ce: {  	s28 =	spop (v2sf);
	(v2sf) =	vpush v3, $0xA;
	s0 =	smin.f32 s0, s26  }
0x1cf: {  	s31 =	spop (v2sf);
	(v2sf) =	vpush v3, $0xB;
	s0 =	smin.f32 s0, s28  }
0x1d0: {  	s26 =	spop (v2sf);
	(v2sf) =	vpush v3, $0xC;
	s0 =	smin.f32 s0, s31  }
0x1d1: {  	s28 =	spop (v2sf);
	(v2sf) =	vpush v3, $0xD;
	s0 =	smin.f32 s0, s26  }
0x1d2: {  	s31 =	spop (v2sf);
	(v2sf) =	vpush v3, $0xE;
	s0 =	smin.f32 s0, s28  }
0x1d3: {  	s26 =	spop (v2sf);
	(v2sf) =	vpush v3, $0xF;
	s0 =	smin.f32 s0, s31  }
0x1d4: {  	s28 =	spop (v2sf);
	s0 =	scvt.f32.s32 s0  }
0x1d5: {  	s31 =	spop (v2sf);
	s26 =	smin.f32 s26, s28  }
0x1d6: {  	s28 =	spop (v2sf);
	s26 =	smin.f32 s26, s31  }
0x1d7: {  	s31 =	spop (v2sf);
	s26 =	smin.f32 s26, s28  }
0x1d8: {  	s28 =	spop (v2sf);
	s26 =	smin.f32 s26, s31  }
0x1d9: {  	s31 =	spop (v2sf);
	s26 =	smin.f32 s26, s28  }
0x1da: {  	s28 =	spop (v2sf);
	s26 =	smin.f32 s26, s31  }
0x1db: {  	v2 =	vtrunc.f32 v19;
	s31 =	spop (v2sf);
	s26 =	smin.f32 s26, s28  }
0x1dc: {  	v2 =	vcvt.f32.s32 v2;
	v3 =	vtrunc.f32 v20;
	s28 =	spop (v2sf);
	s26 =	smin.f32 s26, s31  }
0x1dd: {  	s30 =	sadd.s32 $0x40, s30;
	v4 =	vtrunc.f32 v18;
	v3 =	vcvt.f32.s32 v3;
	s31 =	spop (v2sf);
	s26 =	smin.f32 s26, s28  }
0x1de: {  	s29 =	sadd.s32 $0x40, s29;
	v5 =	vtrunc.f32 v17;
	[tilespmem:s30+$0xFFFFFFE0] =	vst v2;
	v2 =	vcvt.f32.s32 v4;
	s28 =	spop (v2sf);
	s26 =	smin.f32 s26, s31  }
0x1df: {  	v4 =	vtrunc.f32 v15;
	[tilespmem:s29+$0xFFFFFFE0] =	vst v3;
	v3 =	vcvt.f32.s32 v5;
	s31 =	spop (v2sf);
	s26 =	smin.f32 s26, s28  }
0x1e0: {  	[tilespmem:s30+$0xFFFFFFF0] =	vst v2;
	v2 =	vcvt.f32.s32 v4;
	v5 =	vtrunc.f32 v16;
	s28 =	spop (v2sf);
	s26 =	smin.f32 s26, s31  }
0x1e1: {  	v4 =	vtrunc.f32 v14;
	[tilespmem:s29+$0xFFFFFFF0] =	vst v3;
	v3 =	vcvt.f32.s32 v5;
	s31 =	spop (v2sf);
	s26 =	smin.f32 s26, s28  }
0x1e2: {  	[tilespmem:s30+$0x0] =	vst v2;
	v2 =	vcvt.f32.s32 v4;
	v5 =	vtrunc.f32 v13;
	s26 =	smin.f32 s26, s31;
	s28 =	spop (v2sf)  }
0x1e3: {  	[tilespmem:s29+$0x0] =	vst v3;
	v3 =	vcvt.f32.s32 v5;
	s26 =	smin.f32 s26, s28  }
0x1e4: {  	[tilespmem:s30+$0x10] =	vst v2;
	s0 =	sadd.s32 $0xC02, s0;
	s26 =	scvt.f32.s32 s26  }
0x1e5: {  	[tilespmem:s29+$0x10] =	vst v3;
	s28 =	smulhi.u32 $0x55555556, s0;
	s0 =	sshra.s32 s0, $0x1F  }
0x1e6: {  	_ =	swait.ge [sflag:s23], $0xC000;
	s29 =	smul.u32 $0x55555556, s0;
	s0 =	sadd.s32 $0xC02, s26  }
0x1e7: {  	[sflag:s23] =	ssyncset.done $0x0;
	s26 =	smulhi.u32 $0x55555556, s0;
	s0 =	sshra.s32 s0, $0x1F  }
0x1e8: {  	s31 =	simm.s32 $0xC0A0;
	[sflag:s23] =	ssyncadd.s32 $0xFFFF4000;
	s30 =	smul.u32 $0x55555556, s0  }
0x1e9: {  	v4 =	vld [tilespmem:s31+$0x10];
	s0 =	simm.s32 $0xE0A0  }
0x1ea: {  	s28 =	sadd.s32 s29, s28;
	v5 =	vld [tilespmem:s0+$0x10];
	s26 =	sadd.s32 s30, s26  }
0x1eb: {  	s29 =	sshrl.u32 s28, $0x1F;
	s30 =	sshrl.u32 s26, $0x1F  }
0x1ec: {  	s28 =	sadd.s32 s29, s28;
	s26 =	sadd.s32 s30, s26  }
0x1ed: {  	v6 =	vld [tilespmem:s31+$0xFFFFFFF0];
	s28 =	sadd.s32 $0xFFFFFC00, s28;
	s26 =	sadd.s32 $0xFFFFFC00, s26  }
0x1ee: {  	v7 =	vld [tilespmem:s0+$0xFFFFFFF0];
	v2 =	vmov s28;
	v3 =	vmov s26  }
0x1ef: {  	v4 =	vsub.s32 v4, v2;
	v5 =	vsub.s32 v5, v3  }
0x1f0: {  	v10 =	vld [tilespmem:s31+$0xFFFFFFE0];
	v9 =	vor.u32 v4, v5;
	v4 =	vmul.u32 $0x180, v4;
	v5 =	vmul.u32 $0x3, v5  }
0x1f1: {  	v8 =	vld [tilespmem:s0+$0xFFFFFFE0];
	s26 =	simm.s32 $0x6020;
	vm2 =	vlt.u32 v9, $0x80  }
0x1f2: {  	v4 =	vadd.s32 v4, v5;
	v5 =	vld [tilespmem:s26+$0x10]  }
0x1f3: {  	v11 =	vld [tilespmem:s0+$0x0];
	v6 =	vsub.s32 v6, v2;
	v7 =	vsub.s32 v7, v3  }
0x1f4: {  	v59 =	vmul.u32 $0x180, v6;
	v60 =	vmul.u32 $0x3, v7;
	v6 =	vor.u32 v6, v7;
	v9 =	vld [tilespmem:s31+$0x0]  }
0x1f5: {  	vm0 =	vlt.u32 v6, $0x80  }
0x1f6: {  	v10 =	vsub.s32 v10, v2;
	v7 =	vsub.s32 v8, v3;
	v8 =	vld [tilespmem:s26+$0xFFFFFFF0];
	v12 =	vadd.s32 v59, v60  }
0x1f7: {  	s28 =	simm.s32 $0x8020;
	v6 =	vmul.u32 $0x3, v7;
	[tilespmem:v4+s13+$0x0] =	vst.idx.add.f32.msk vm2, v5;
	v5 =	vor.u32 v10, v7;
	v7 =	vmul.u32 $0x180, v10  }
0x1f8: {  	v11 =	vsub.s32 v11, v3;
	v10 =	vadd.s32 $0x1, v4;
	v61 =	vld [tilespmem:s28+$0x10]  }
0x1f9: {  	v62 =	vld [tilespmem:s26+$0x0];
	v9 =	vsub.s32 v9, v2;
	vm3 =	vlt.u32 v5, $0x80;
	v6 =	vadd.s32 v7, v6  }
0x1fa: {  	v5 =	vld [tilespmem:s26+$0xFFFFFFE0];
	v7 =	vmul.u32 $0x180, v9;
	v9 =	vor.u32 v9, v11;
	v11 =	vmul.u32 $0x3, v11  }
0x1fb: {  	[tilespmem:v12+s13+$0x0] =	vst.idx.add.f32.msk vm0, v8;
	vm4 =	vlt.u32 v9, $0x80  }
0x1fc: {  	vm0 =	vmmov vm0;
	v63 =	vld [tilespmem:s28+$0xFFFFFFF0];
	v7 =	vadd.s32 v7, v11  }
0x1fd: {  	s29 =	simm.s32 $0xA020;
	v11 =	vadd.s32 $0x1, v12;
	[tilespmem:v10+s13+$0x0] =	vst.idx.add.f32.msk vm2, v61  }
0x1fe: {  	v8 =	vld [tilespmem:s29+$0x10]  }
0x1ff: {  	v4 =	vadd.s32 $0x2, v4;
	[tilespmem:v6+s13+$0x0] =	vst.idx.add.f32.msk vm3, v5  }
0x200: {  	v5 =	vadd.s32 $0x1, v6;
	v10 =	vld [tilespmem:s28+$0xFFFFFFE0]  }
0x201: {  	[tilespmem:v7+s13+$0x0] =	vst.idx.add.f32.msk vm4, v62  }
0x202: {  	[tilespmem:v11+s13+$0x0] =	vst.idx.add.f32.msk vm0, v63  }
0x203: {  	v9 =	vld [tilespmem:s28+$0x0]  }
0x204: {  	[tilespmem:v4+s13+$0x0] =	vst.idx.add.f32.msk vm2, v8  }
0x205: {  	vm1 =	vmmov vm3;
	v8 =	vadd.s32 $0x1, v7;
	v4 =	vadd.s32 $0x2, v6;
	[tilespmem:v5+s13+$0x0] =	vst.idx.add.f32.msk vm3, v10  }
0x206: {  	s30 =	simm.s32 $0x0;
	s31 =	simm.s32 $0xC0E0;
	v6 =	vadd.s32 $0x2, v7;
	vm2 =	vmmov vm4;
	v5 =	vadd.s32 $0x2, v12;
	v7 =	vld [tilespmem:s29+$0xFFFFFFE0]  }
.LBB2_5:
0x207: {  	v10 =	vld [tilespmem:s31+$0x10];
	s0 =	sadd.s32 $0x40, s0  }
0x208: {  	s30 =	sadd.s32 $0x4, s30;
	v11 =	vld [tilespmem:s0+$0x10]  }
0x209: {  	p0 =	slt.u32 s30, $0x1FC;
	v12 =	vld [tilespmem:s0+$0xFFFFFFE0]  }
0x20a: {  	v13 =	vld [tilespmem:s31+$0xFFFFFFF0]  }
0x20b: {  	v14 =	vld [tilespmem:s0+$0xFFFFFFF0]  }
0x20c: {  	v15 =	vld [tilespmem:s31+$0x0]  }
0x20d: {  	v10 =	vsub.s32 v10, v2;
	v16 =	vld [tilespmem:s0+$0x0];
	v11 =	vsub.s32 v11, v3  }
0x20e: {  	v17 =	vld [tilespmem:s31+$0xFFFFFFE0];
	v18 =	vor.u32 v10, v11;
	v10 =	vmul.u32 $0x180, v10;
	v11 =	vmul.u32 $0x3, v11  }
0x20f: {  	s26 =	sadd.s32 $0x40, s26;
	v12 =	vsub.s32 v12, v3;
	v13 =	vsub.s32 v13, v2;
	vm3 =	vlt.u32 v18, $0x80;
	[tilespmem:v8+s13+$0x0] =	vst.idx.add.f32.msk vm2, v9  }
0x210: {  	v8 =	vmul.u32 $0x3, v12;
	v9 =	vsub.s32 v14, v3;
	v10 =	vadd.s32 v10, v11;
	v11 =	vld [tilespmem:s26+$0x10]  }
0x211: {  	v18 =	vmul.u32 $0x180, v13;
	v14 =	vld [tilespmem:s26+$0xFFFFFFE0];
	v19 =	vmul.u32 $0x3, v9;
	v15 =	vsub.s32 v15, v2  }
0x212: {  	v9 =	vor.u32 v13, v9;
	v13 =	vld [tilespmem:s26+$0xFFFFFFF0];
	v16 =	vsub.s32 v16, v3;
	v20 =	vmul.u32 $0x180, v15  }
0x213: {  	v17 =	vsub.s32 v17, v2;
	v15 =	vor.u32 v15, v16;
	v16 =	vmul.u32 $0x3, v16;
	v21 =	vld [tilespmem:s26+$0x0]  }
0x214: {  	vm6 =	vlt.u32 v9, $0x80;
	v12 =	vor.u32 v17, v12;
	v17 =	vmul.u32 $0x180, v17;
	v9 =	vld [tilespmem:s29+$0xFFFFFFF0]  }
0x215: {  	s28 =	sadd.s32 $0x40, s28;
	vm4 =	vlt.u32 v15, $0x80;
	vm5 =	vlt.u32 v12, $0x80;
	v12 =	vadd.s32 v18, v19;
	[tilespmem:v10+s13+$0x0] =	vst.idx.add.f32.msk vm3, v11  }
0x216: {  	v15 =	vadd.s32 v20, v16;
	v16 =	vadd.s32 $0x1, v10;
	v11 =	vadd.s32 v17, v8;
	v17 =	vld [tilespmem:s28+$0x10]  }
0x217: {  	v19 =	vadd.s32 $0x1, v12;
	v8 =	vadd.s32 $0x1, v15;
	v18 =	vadd.s32 $0x1, v11;
	v20 =	vld [tilespmem:s29+$0x0]  }
0x218: {  	v22 =	vadd.s32 $0x2, v12;
	v23 =	vadd.s32 $0x2, v15;
	[tilespmem:v4+s13+$0x0] =	vst.idx.add.f32.msk vm1, v7;
	v4 =	vadd.s32 $0x2, v11  }
0x219: {  	vm1 =	vmmov vm5;
	[tilespmem:v5+s13+$0x0] =	vst.idx.add.f32.msk vm0, v9;
	v5 =	vmov v22;
	vm0 =	vmmov vm6  }
0x21a: {  	[tilespmem:v12+s13+$0x0] =	vst.idx.add.f32.msk vm6, v13  }
0x21b: {  	s29 =	sadd.s32 $0x40, s29;
	[tilespmem:v16+s13+$0x0] =	vst.idx.add.f32.msk vm3, v17  }
0x21c: {  	v7 =	vadd.s32 $0x2, v10;
	v9 =	vld [tilespmem:s29+$0x10]  }
0x21d: {  	[tilespmem:v11+s13+$0x0] =	vst.idx.add.f32.msk vm5, v14  }
0x21e: {  	[tilespmem:v15+s13+$0x0] =	vst.idx.add.f32.msk vm4, v21  }
0x21f: {  	v10 =	vld [tilespmem:s28+$0xFFFFFFE0]  }
0x220: {  	v11 =	vld [tilespmem:s28+$0xFFFFFFF0]  }
0x221: {  	[tilespmem:v7+s13+$0x0] =	vst.idx.add.f32.msk vm3, v9  }
.Ltmp2:
0x222: {  	v9 =	vld [tilespmem:s28+$0x0];
	(pc) =	sbr.rel @p0 .LBB2_5-.Ltmp2, $4  }
0x223: {  	[tilespmem:v6+s13+$0x0] =	vst.idx.add.f32.msk vm2, v20;
	v6 =	vmov v23;
	vm2 =	vmmov vm4  }
0x224: {  	[tilespmem:v18+s13+$0x0] =	vst.idx.add.f32.msk vm5, v10  }
0x225: {  	[tilespmem:v19+s13+$0x0] =	vst.idx.add.f32.msk vm6, v11  }
0x226: {  	s31 =	sadd.s32 $0x40, s31;
	v7 =	vld [tilespmem:s29+$0xFFFFFFE0]  }
0x227: {  	_ =	sdelay $0x4  }
0x228: {  	[tilespmem:v8+s13+$0x0] =	vst.idx.add.f32.msk vm2, v9  }
0x229: {  	v2 =	vld [tilespmem:s29+$0xFFFFFFF0]  }
0x22a: {  	v3 =	vld [tilespmem:s29+$0x0];
	_ =	sdelay $0x2  }
0x22b: {  	s25 =	sadd.s32 $0x1, s25;
	[tilespmem:v4+s13+$0x0] =	vst.idx.add.f32.msk vm1, v7  }
0x22c: {  	p0 =	sne.s32 s25, s12;
	[tilespmem:v5+s13+$0x0] =	vst.idx.add.f32.msk vm0, v2  }
.Ltmp3:
0x22d: {  	[tilespmem:v6+s13+$0x0] =	vst.idx.add.f32.msk vm2, v3;
	(pc) =	sbr.rel @p0 .LBB2_2-.Ltmp3, $4  }
0x22e: {  	[hbm4b:s4+s15] =	stream.strided.scatter [tilespmem:s13], [sflag:$0x3], $0xC000, s16, s15, $0x38;
	[tilespmem:$0x1C080] =	vst v63  }
0x22f: {  	_ =	swait.ge [sflag:s24], $0xC000  }
0x230: {  	[sflag:s24] =	ssyncset.done $0x0  }
0x231: {  	[sflag:s24] =	ssyncadd.s32 $0xFFFF4000  }
.LBB2_7:
0x232: {  	_ =	sfence.sel $0x180000  }
0x233: {  	[bflag:$0x0] =	sbarrier.arrive $0xFFFF  }
0x234: {  	_ =	strace $0x90000047  }
0x235: {  	[bflag:$0x2] =	sbarrier.arrive $0xFFFF  }
0x236: {  	p0 =	sne.s32 s2, $0x0;
	s0 =	rddreg [dreg:$0x2]  }
0x237: {  	s0 =	sadd.s32 @!p0 $0x100000, s0  }
0x238: {  	[sflag:s0] =	ssyncadd.tile.s32 @!p0 $0x1;
	_ =	shalt  }
.Lfunc_end2:
_tile_overlayer_lowered:
.L_overlay_start_2:
0x239: {  	(tag) =	ssettag $0x2  }
0x23a: {  	s0 =	rddreg [dreg:$0x0];
	s2 =	stileid.u32  }
0x23b: {  	s1 =	rddreg [dreg:$0x1];
	p0 =	sne.s32 s2, $0x0  }
0x23c: {  	s3 =	rddreg [dreg:$0x2];
	[bflag:$0x3] =	sbarrier.arrive $0xFFFF;
	s2 =	simm.s32 @!p0 $0x1C03  }
0x23d: {  	[timem:s3], [sflag:s2] =	dma.local @!p0 [hbm:s0], s1  }
0x23e: {  	s0 =	simm.s32 @!p0 $0x3  }
0x23f: {  	_ =	swait.ge @!p0 [sflag:s0], s1  }
0x240: {  	s1 =	ssub.s32 @!p0 $0x0, s1;
	[sflag:s0] =	ssyncset.done @!p0 $0x0  }
0x241: {  	[sflag:s0] =	ssyncadd.s32 @!p0 s1  }
0x242: {  	[bflag:$0x3] =	sbarrier.arrive $0xFFFF  }
0x243: {  	_ =	shalt  }

</sc_bundles>
